<compile_context>
chip_gen: v7x
topology: tpu7x:2x2x1
jax: 0.10.2.dev20260603
libtpu: 0.0.44.dev20260713+nightly
codegen_flags: <defaults>
</compile_context>

<pallas_src>
import functools

import jax
import jax.numpy as jnp
from jax import lax
from jax.experimental import pallas as pl
from jax.experimental.pallas import tpu as pltpu
from jax.experimental.pallas import tpu_sc as plsc

_CROSS_L = 3
_EPS = 1e-5
_BLK = 1024


_CHUNK = 128


def _make_sc_gather(bsz, f, e, nb_per_w, num_cores):
    mesh = plsc.VectorSubcoreMesh(core_axis_name="c", subcore_axis_name="s")
    nch_per_w = nb_per_w * f

    @functools.partial(
        pl.kernel,
        out_type=jax.ShapeDtypeStruct((bsz, f * e), jnp.float32),
        mesh=mesh,
        compiler_params=pltpu.CompilerParams(use_tc_tiling_on_sc=False),
        scratch_types=[
            pltpu.VMEM((nb_per_w, _CHUNK), jnp.int32),
            pltpu.VMEM((_CHUNK, e), jnp.float32),
            pltpu.VMEM((_CHUNK, e), jnp.float32),
            pltpu.SemaphoreType.DMA,
            pltpu.SemaphoreType.DMA,
        ],
    )
    def gather_k(table_hbm, idx_hbm, out_hbm, idx_v, buf0, buf1, sem0, sem1):
        wid = lax.axis_index("s") * num_cores + lax.axis_index("c")
        base = wid * nb_per_w * _CHUNK
        pltpu.sync_copy(idx_hbm.at[wid], idx_v)

        def src(c):
            r = c // f
            fld = c - r * f
            return table_hbm.at[fld].at[idx_v.at[r]]

        def start(c, buf, sem):
            pltpu.async_copy(src(c), buf, sem)

        def drain(c, buf, sem):
            r = c // f
            fld = c - r * f
            pltpu.make_async_copy(src(c), buf, sem).wait()
            pltpu.sync_copy(
                buf,
                out_hbm.at[pl.ds(base + r * _CHUNK, _CHUNK),
                           pl.ds(fld * e, e)])

        start(0, buf0, sem0)

        def body(i, carry):
            c = 2 * i
            start(c + 1, buf1, sem1)
            drain(c, buf0, sem0)

            @pl.when(c + 2 < nch_per_w)
            def _():
                start(c + 2, buf0, sem0)

            drain(c + 1, buf1, sem1)
            return carry

        lax.fori_loop(0, nch_per_w // 2, body, 0)

    return gather_k


def _pass_a(emb_ref, den_ref, wct_ref, stats_e_ref, stats_d_ref, st_ref, *, de):
    i = pl.program_id(0)
    emb = emb_ref[...]
    den = den_ref[...]
    st = lax.dot_general(emb, wct_ref[0:de, :], (((1,), (0,)), ((), ())),
                         precision=lax.Precision.HIGHEST,
                         preferred_element_type=jnp.float32)
    st += lax.dot_general(den, wct_ref[de:, :], (((1,), (0,)), ((), ())),
                          precision=lax.Precision.HIGHEST,
                          preferred_element_type=jnp.float32)
    st_ref[...] = st

    @pl.when(i == 0)
    def _():
        stats_e_ref[...] = jnp.zeros_like(stats_e_ref)
        stats_d_ref[...] = jnp.zeros_like(stats_d_ref)

    stats_e_ref[0:2, :] += jnp.concatenate(
        [jnp.sum(emb, axis=0, keepdims=True),
         jnp.sum(emb * emb, axis=0, keepdims=True)], axis=0)
    stats_d_ref[0:2, :] += jnp.concatenate(
        [jnp.sum(den, axis=0, keepdims=True),
         jnp.sum(den * den, axis=0, keepdims=True)], axis=0)


def _norm(x, stats_ref, g_ref, b_ref, inv_b):
    m = stats_ref[0:1, :] * inv_b
    v = stats_ref[1:2, :] * inv_b - m * m
    a = lax.rsqrt(v + _EPS) * g_ref[...]
    return (x - m) * a + b_ref[...]


def _pass_b(emb_ref, den_ref, stats_e_ref, stats_d_ref, ge_ref, be_ref,
            gd_ref, bd_ref, w1t_ref, b1_ref, h1_ref, stats1_ref, *, bsz, de):
    i = pl.program_id(0)
    inv_b = 1.0 / bsz
    xe = _norm(emb_ref[...], stats_e_ref, ge_ref, be_ref, inv_b)
    xd = _norm(den_ref[...], stats_d_ref, gd_ref, bd_ref, inv_b)
    h1 = lax.dot_general(xe, w1t_ref[0:de, :], (((1,), (0,)), ((), ())),
                         precision=lax.Precision.HIGHEST,
                         preferred_element_type=jnp.float32)
    h1 += lax.dot_general(xd, w1t_ref[de:, :], (((1,), (0,)), ((), ())),
                          precision=lax.Precision.HIGHEST,
                          preferred_element_type=jnp.float32)
    h1 += b1_ref[...]
    h1_ref[...] = h1

    @pl.when(i == 0)
    def _():
        stats1_ref[...] = jnp.zeros_like(stats1_ref)

    stats1_ref[0:2, :] += jnp.concatenate(
        [jnp.sum(h1, axis=0, keepdims=True),
         jnp.sum(h1 * h1, axis=0, keepdims=True)], axis=0)


def _pass_c(h1_ref, stats1_ref, g1_ref, b1n_ref, w2t_ref, b2_ref,
            h2_ref, stats2_ref, *, bsz):
    i = pl.program_id(0)
    xn = _norm(h1_ref[...], stats1_ref, g1_ref, b1n_ref, 1.0 / bsz)
    h2 = lax.dot_general(xn, w2t_ref[...], (((1,), (0,)), ((), ())),
                         precision=lax.Precision.HIGHEST,
                         preferred_element_type=jnp.float32) + b2_ref[...]
    h2_ref[...] = h2

    @pl.when(i == 0)
    def _():
        stats2_ref[...] = jnp.zeros_like(stats2_ref)

    stats2_ref[0:2, :] += jnp.concatenate(
        [jnp.sum(h2, axis=0, keepdims=True),
         jnp.sum(h2 * h2, axis=0, keepdims=True)], axis=0)


def _pass_d(h2_ref, st_ref, stats2_ref, g2_ref, b2n_ref, wpe_ref, wpd_ref,
            cb_ref, bp_ref, out_ref, *, bsz):
    h2n = _norm(h2_ref[...], stats2_ref, g2_ref, b2n_ref, 1.0 / bsz)
    dpart = jnp.sum(h2n * wpd_ref[...], axis=1, keepdims=True)
    wpe_sum = jnp.sum(wpe_ref[...], axis=1, keepdims=True)
    s = st_ref[:, 0:1]
    t = st_ref[:, 1:2]
    cb_last = cb_ref[0:1, _CROSS_L - 1:_CROSS_L]
    logit = (1.0 + s) * t + cb_last * wpe_sum + dpart + bp_ref[0:1, 0:1]
    out_ref[...] = jax.nn.sigmoid(logit)


def kernel(sparse_data, dense_data, emb_tables, cross_w, cross_b, bn0_g, bn0_b,
           w1, b1, bn1_g, bn1_b, w2, b2, bn2_g, bn2_b, wp, bp):
    bsz = sparse_data.shape[0]
    f, vocab, e = emb_tables.shape
    de = f * e
    dd = dense_data.shape[1]
    d_in = de + dd
    h1dim = w1.shape[0]
    h2dim = w2.shape[0]

    idx0 = sparse_data[:, 0].astype(jnp.int32)

    info = plsc.get_sparse_core_info()
    nw = info.num_cores * info.num_subcores
    assert bsz % (nw * _CHUNK) == 0
    nb_per_w = bsz // (nw * _CHUNK)
    assert (nb_per_w * f) % 2 == 0
    idx_w = idx0.reshape(nw, nb_per_w, _CHUNK)
    emb = _make_sc_gather(bsz, f, e, nb_per_w, info.num_cores)(
        emb_tables, idx_w)

    nblk = bsz // _BLK
    grid = (nblk,)
    row2 = lambda n: jnp.reshape(n, (1, -1))

    wct = jnp.stack([cross_w[_CROSS_L - 1], wp[0, :d_in]], axis=1)
    w1t = w1.T
    w2t = w2.T

    def bspec(shape_rows, shape_cols, blocked=True):
        if blocked:
            return pl.BlockSpec((shape_rows, shape_cols), lambda i: (i, 0))
        return pl.BlockSpec((shape_rows, shape_cols), lambda i: (0, 0))

    f32 = jnp.float32
    stats_e, stats_d, st = pl.pallas_call(
        functools.partial(_pass_a, de=de),
        grid=grid,
        in_specs=[
            bspec(_BLK, de), bspec(_BLK, dd), bspec(d_in, 2, False),
        ],
        out_specs=[
            bspec(8, de, False), bspec(8, dd, False), bspec(_BLK, 2),
        ],
        out_shape=[
            jax.ShapeDtypeStruct((8, de), f32),
            jax.ShapeDtypeStruct((8, dd), f32),
            jax.ShapeDtypeStruct((bsz, 2), f32),
        ],
    )(emb, dense_data, wct)

    h1, stats1 = pl.pallas_call(
        functools.partial(_pass_b, bsz=bsz, de=de),
        grid=grid,
        in_specs=[
            bspec(_BLK, de), bspec(_BLK, dd),
            bspec(8, de, False), bspec(8, dd, False),
            bspec(1, de, False), bspec(1, de, False),
            bspec(1, dd, False), bspec(1, dd, False),
            bspec(d_in, h1dim, False), bspec(1, h1dim, False),
        ],
        out_specs=[bspec(_BLK, h1dim), bspec(8, h1dim, False)],
        out_shape=[
            jax.ShapeDtypeStruct((bsz, h1dim), f32),
            jax.ShapeDtypeStruct((8, h1dim), f32),
        ],
    )(emb, dense_data, stats_e, stats_d,
      row2(bn0_g[:de]), row2(bn0_b[:de]), row2(bn0_g[de:]), row2(bn0_b[de:]),
      w1t, row2(b1))

    h2, stats2 = pl.pallas_call(
        functools.partial(_pass_c, bsz=bsz),
        grid=grid,
        in_specs=[
            bspec(_BLK, h1dim),
            bspec(8, h1dim, False),
            bspec(1, h1dim, False), bspec(1, h1dim, False),
            bspec(h1dim, h2dim, False), bspec(1, h2dim, False),
        ],
        out_specs=[bspec(_BLK, h2dim), bspec(8, h2dim, False)],
        out_shape=[
            jax.ShapeDtypeStruct((bsz, h2dim), f32),
            jax.ShapeDtypeStruct((8, h2dim), f32),
        ],
    )(h1, stats1, row2(bn1_g), row2(bn1_b), w2t, row2(b2))

    out = pl.pallas_call(
        functools.partial(_pass_d, bsz=bsz),
        grid=grid,
        in_specs=[
            bspec(_BLK, h2dim), bspec(_BLK, 2),
            bspec(8, h2dim, False),
            bspec(1, h2dim, False), bspec(1, h2dim, False),
            bspec(1, d_in, False), bspec(1, h2dim, False),
            bspec(1, _CROSS_L, False), bspec(1, 1, False),
        ],
        out_specs=bspec(_BLK, 1),
        out_shape=jax.ShapeDtypeStruct((bsz, 1), f32),
    )(h2, st, stats2, row2(bn2_g), row2(bn2_b),
      row2(wp[0, :d_in]), row2(wp[0, d_in:]), row2(cross_b), row2(bp))

    return out

# --- scband reference (transcript-rebuilt; emitter-appended) ---
"""Pipeline reference for scband-dcn-87952340288138 (READ-ONLY COPY).

The authoritative reference and input builder live on the scoring server;
editing this copy changes nothing except your own understanding.
"""

import jax, jax.numpy as jnp
import numpy as np

B = 16384
N_FIELDS = 26
VOCAB = 100000
EMB_DIM = 16
DENSE_DIM = 13
CROSS_L = 3
H1, H2 = 256, 128
D_IN = N_FIELDS * EMB_DIM + DENSE_DIM  # 429


def setup_inputs(seed: int = 0) -> dict:
    key = jax.random.key(seed)
    ks = [jax.random.fold_in(key, i) for i in range(12)]
    sparse_data = jax.random.randint(ks[0], (B, N_FIELDS), 0, VOCAB)
    dense_data = jax.random.normal(ks[1], (B, DENSE_DIM), dtype=jnp.float32)
    # nn.Embedding default init is N(0, 1)
    emb_tables = jax.random.normal(ks[2], (N_FIELDS, VOCAB, EMB_DIM), dtype=jnp.float32)
    cross_w = jax.random.normal(ks[3], (CROSS_L, D_IN), dtype=jnp.float32) * (1.0 / np.sqrt(D_IN))
    cross_b = jnp.zeros((CROSS_L,), dtype=jnp.float32)
    bn0_g = jnp.ones((D_IN,), dtype=jnp.float32)
    bn0_b = jnp.zeros((D_IN,), dtype=jnp.float32)
    w1 = jax.random.normal(ks[4], (H1, D_IN), dtype=jnp.float32) * (1.0 / np.sqrt(D_IN))
    b1 = jnp.zeros((H1,), dtype=jnp.float32)
    bn1_g = jnp.ones((H1,), dtype=jnp.float32)
    bn1_b = jnp.zeros((H1,), dtype=jnp.float32)
    w2 = jax.random.normal(ks[5], (H2, H1), dtype=jnp.float32) * (1.0 / np.sqrt(H1))
    b2 = jnp.zeros((H2,), dtype=jnp.float32)
    bn2_g = jnp.ones((H2,), dtype=jnp.float32)
    bn2_b = jnp.zeros((H2,), dtype=jnp.float32)
    wp = jax.random.normal(ks[6], (1, H2 + D_IN), dtype=jnp.float32) * (1.0 / np.sqrt(H2 + D_IN))
    bp = jnp.zeros((1,), dtype=jnp.float32)
    return {
        'sparse_data': sparse_data, 'dense_data': dense_data, 'emb_tables': emb_tables,
        'cross_w': cross_w, 'cross_b': cross_b, 'bn0_g': bn0_g, 'bn0_b': bn0_b,
        'w1': w1, 'b1': b1, 'bn1_g': bn1_g, 'bn1_b': bn1_b,
        'w2': w2, 'b2': b2, 'bn2_g': bn2_g, 'bn2_b': bn2_b,
        'wp': wp, 'bp': bp,
    }


def _bn_train(x, g, b):
    # PyTorch BatchNorm1d in training mode: batch mean, biased variance, eps=1e-5
    m = jnp.mean(x, axis=0)
    v = jnp.var(x, axis=0)
    return (x - m) / jnp.sqrt(v + 1e-5) * g + b


def reference(sparse_data, dense_data, emb_tables, cross_w, cross_b, bn0_g, bn0_b,
              w1, b1, bn1_g, bn1_b, w2, b2, bn2_g, bn2_b, wp, bp):
    bsz = sparse_data.shape[0]
    # Faithful to the original code: the loop index `i` is never incremented,
    # so every field's embedding table is looked up with column 0 of sparse_data.
    idx0 = sparse_data[:, 0]
    embs = emb_tables[:, idx0, :]                     # [F, B, E] gather
    emb = jnp.transpose(embs, (1, 0, 2)).reshape(bsz, N_FIELDS * EMB_DIM)
    cross_input = jnp.concatenate([emb, dense_data], axis=1)  # [B, D_IN]
    # Cross layers: bmm(x^T, x) @ w_i + b_i + x  ==  x * (x . w_i) + b_i + x
    # (each iteration reads cross_input, as in the original; earlier outputs are discarded)
    emb_c = cross_input
    for i in range(CROSS_L):
        s = cross_input @ cross_w[i]                  # [B]
        emb_c = cross_input * s[:, None] + cross_b[i] + cross_input
    # Deep network: BN -> Linear -> Dropout(0) -> BN -> Linear -> Dropout(0) -> BN (no activations)
    d = _bn_train(cross_input, bn0_g, bn0_b)
    d = d @ w1.T + b1
    d = _bn_train(d, bn1_g, bn1_b)
    d = d @ w2.T + b2
    d = _bn_train(d, bn2_g, bn2_b)
    out = jnp.concatenate([emb_c, d], axis=1) @ wp.T + bp
    return jax.nn.sigmoid(out)


if False:  # reference __main__ guard neutralized (emitter)
    inp = setup_inputs()
    o = reference(**inp)
    print(o.shape, o.dtype)

if __name__ == "__main__":
    import jax
    _d = setup_inputs()
    print(jax.jit(kernel)(*tuple(_d.values())))

</pallas_src>

<mosaic_0001>
#map = affine_map<(d0, d1) -> (0, 0, 0)>
#map1 = affine_map<(d0, d1) -> (0, 0)>
module attributes {stable_mosaic.version = 14 : i64} {
  func.func @gather_k(%arg0: i32, %arg1: i32, %arg2: memref<26x100000x16xf32, #tpu.memory_space<hbm>>, %arg3: memref<32x4x128xi32, #tpu.memory_space<hbm>>, %arg4: memref<16384x416xf32, #tpu.memory_space<hbm>>, %arg5: memref<4x128xi32, #tpu.memory_space<vmem>>, %arg6: memref<128x16xf32, #tpu.memory_space<vmem>>, %arg7: memref<128x16xf32, #tpu.memory_space<vmem>>, %arg8: memref<!tpu.dma_semaphore, #tpu.memory_space<semaphore_mem>>, %arg9: memref<!tpu.dma_semaphore, #tpu.memory_space<semaphore_mem>>) attributes {dimension_semantics = [#tpu.dimension_semantics<core_parallel>, #tpu.dimension_semantics<subcore_parallel>], iteration_bounds = array<i64: 2, 16>, scalar_prefetch = 0 : i64, scratch_operands = 5 : i64, tpu.core_type = #tpu.core_type<sc_vector_subcore>, window_params = [{transform_indices = #map}, {transform_indices = #map}, {transform_indices = #map1}]} {
    %mul3A = arith.constant 2 : i32
    %mul3A_0 = arith.muli %arg1, %mul3A : i32
    %add3A = arith.addi %mul3A_0, %arg0 : i32
    %mul3A_1 = arith.constant 4 : i32
    %mul3A_2 = arith.muli %add3A, %mul3A_1 : i32
    %mul3A_3 = arith.constant 128 : i32
    %mul3A_4 = arith.muli %mul3A_2, %mul3A_3 : i32
    "tpu.region"() ({
      %run_scoped3A = tpu.sem_alloc : memref<!tpu.dma_semaphore, #tpu.memory_space<semaphore_mem>>
      %dma_start3A_21 = arith.constant 0 : i32
      %dma_start3A_22 = arith.constant 0 : i32
      %dma_start3A_23 = tpu.memref_slice %arg3[%add3A, %dma_start3A_21, %dma_start3A_22] : memref<32x4x128xi32, #tpu.memory_space<hbm>> -> memref<1x4x128xi32, #tpu.memory_space<hbm>>
      %dma_start3A_24 = tpu.memref_squeeze %dma_start3A_23 : memref<1x4x128xi32, #tpu.memory_space<hbm>> -> memref<4x128xi32, #tpu.memory_space<hbm>>
      %dma_start3A_25 = arith.constant 0 : i32
      %dma_start3A_26 = arith.constant 0 : i32
      %dma_start3A_27 = tpu.memref_slice %arg3[%add3A, %dma_start3A_25, %dma_start3A_26] : memref<32x4x128xi32, #tpu.memory_space<hbm>> -> memref<1x4x128xi32, #tpu.memory_space<hbm>>
      %dma_start3A_28 = tpu.memref_squeeze %dma_start3A_27 : memref<1x4x128xi32, #tpu.memory_space<hbm>> -> memref<4x128xi32, #tpu.memory_space<hbm>>
      tpu.enqueue_dma source(%dma_start3A_28 : memref<4x128xi32, #tpu.memory_space<hbm>>) target(%arg5 : memref<4x128xi32, #tpu.memory_space<vmem>>) target_semaphore(%run_scoped3A : memref<!tpu.dma_semaphore, #tpu.memory_space<semaphore_mem>>)
      %dma_wait3A = arith.constant 0 : i32
      %dma_wait3A_29 = arith.constant 0 : i32
      %dma_wait3A_30 = tpu.memref_slice %arg3[%add3A, %dma_wait3A, %dma_wait3A_29] : memref<32x4x128xi32, #tpu.memory_space<hbm>> -> memref<1x4x128xi32, #tpu.memory_space<hbm>>
      %dma_wait3A_31 = tpu.memref_squeeze %dma_wait3A_30 : memref<1x4x128xi32, #tpu.memory_space<hbm>> -> memref<4x128xi32, #tpu.memory_space<hbm>>
      %dma_wait3A_32 = arith.constant 0 : i32
      %dma_wait3A_33 = arith.constant 0 : i32
      %dma_wait3A_34 = tpu.memref_slice %arg3[%add3A, %dma_wait3A_32, %dma_wait3A_33] : memref<32x4x128xi32, #tpu.memory_space<hbm>> -> memref<1x4x128xi32, #tpu.memory_space<hbm>>
      %dma_wait3A_35 = tpu.memref_squeeze %dma_wait3A_34 : memref<1x4x128xi32, #tpu.memory_space<hbm>> -> memref<4x128xi32, #tpu.memory_space<hbm>>
      tpu.wait_dma2 semaphore(%run_scoped3A : memref<!tpu.dma_semaphore, #tpu.memory_space<semaphore_mem>>) src(%dma_wait3A_35 : memref<4x128xi32, #tpu.memory_space<hbm>>) dst(%arg5 : memref<4x128xi32, #tpu.memory_space<vmem>>)
      tpu.yield
    }) : () -> ()
    %dma_start3A = arith.constant 0 : i32
    %dma_start3A_5 = arith.constant 0 : i32
    %dma_start3A_6 = arith.constant 0 : i32
    %dma_start3A_7 = tpu.memref_slice %arg5[%dma_start3A_5, %dma_start3A_6] : memref<4x128xi32, #tpu.memory_space<vmem>> -> memref<1x128xi32, #tpu.memory_space<vmem>>
    %dma_start3A_8 = tpu.memref_squeeze %dma_start3A_7 : memref<1x128xi32, #tpu.memory_space<vmem>> -> memref<128xi32, #tpu.memory_space<vmem>>
    %dma_start3A_9 = arith.constant 0 : i32
    %dma_start3A_10 = arith.constant 0 : i32
    %dma_start3A_11 = tpu.memref_slice %arg2[%dma_start3A, %dma_start3A_9, %dma_start3A_10] : memref<26x100000x16xf32, #tpu.memory_space<hbm>> -> memref<1x100000x16xf32, #tpu.memory_space<hbm>>
    %dma_start3A_12 = tpu.memref_squeeze %dma_start3A_11 : memref<1x100000x16xf32, #tpu.memory_space<hbm>> -> memref<100000x16xf32, #tpu.memory_space<hbm>>
    %dma_start3A_13 = arith.constant 0 : i32
    %dma_start3A_14 = arith.constant 0 : i32
    %dma_start3A_15 = tpu.memref_slice %dma_start3A_12[%dma_start3A_13, %dma_start3A_14] : memref<100000x16xf32, #tpu.memory_space<hbm>> -> memref<100000x16xf32, #tpu.memory_space<hbm>>
    tpu.enqueue_indirect_dma source(%dma_start3A_15 : memref<100000x16xf32, #tpu.memory_space<hbm>>) target(%arg6 : memref<128x16xf32, #tpu.memory_space<vmem>>) offsets(%dma_start3A_8 : memref<128xi32, #tpu.memory_space<vmem>>) semaphore(%arg8 : memref<!tpu.dma_semaphore, #tpu.memory_space<semaphore_mem>>)
    %scan3A = arith.constant 0 : i32
    %scan3A_16 = arith.constant 0 : i32
    %scan3A_17 = arith.constant 52 : i32
    %scan3A_18 = arith.addi %scan3A_16, %scan3A_17 : i32
    %scan3A_19 = arith.constant 1 : i32
    scf.for %scan3A_21 = %scan3A_16 to %scan3A_18 step %scan3A_19  : i32 {
      %mul3A_22 = arith.constant 2 : i32
      %mul3A_23 = arith.muli %mul3A_22, %scan3A_21 : i32
      %add3A_24 = arith.constant 1 : i32
      %add3A_25 = arith.addi %mul3A_23, %add3A_24 : i32
      %jit3A = arith.constant 26 : i32
      %div3A = arith.divsi %add3A_25, %jit3A : i32
      %sign3A = arith.constant 0 : i32
      %sign3A_26 = arith.cmpi sgt, %add3A_25, %sign3A : i32
      %sign3A_27 = arith.extui %sign3A_26 : i1 to i32
      %sign3A_28 = arith.constant 0 : i32
      %sign3A_29 = arith.cmpi slt, %add3A_25, %sign3A_28 : i32
      %sign3A_30 = arith.extui %sign3A_29 : i1 to i32
      %sign3A_31 = arith.subi %sign3A_27, %sign3A_30 : i32
      %sign3A_32 = arith.constant 0 : i32
      %sign3A_33 = arith.cmpi sgt, %jit3A, %sign3A_32 : i32
      %sign3A_34 = arith.extui %sign3A_33 : i1 to i32
      %sign3A_35 = arith.constant 0 : i32
      %sign3A_36 = arith.cmpi slt, %jit3A, %sign3A_35 : i32
      %sign3A_37 = arith.extui %sign3A_36 : i1 to i32
      %sign3A_38 = arith.subi %sign3A_34, %sign3A_37 : i32
      %ne3A = arith.cmpi ne, %sign3A_31, %sign3A_38 : i32
      %rem3A = arith.remsi %add3A_25, %jit3A : i32
      %ne3A_39 = arith.constant 0 : i32
      %ne3A_40 = arith.cmpi ne, %rem3A, %ne3A_39 : i32
      %and3A = arith.andi %ne3A, %ne3A_40 : i1
      %sub3A = arith.constant 1 : i32
      %sub3A_41 = arith.subi %div3A, %sub3A : i32
      %select_n3A = arith.select %and3A, %sub3A_41, %div3A : i32
      %mul3A_42 = arith.constant 26 : i32
      %mul3A_43 = arith.muli %select_n3A, %mul3A_42 : i32
      %sub3A_44 = arith.subi %add3A_25, %mul3A_43 : i32
      %dma_start3A_45 = arith.constant 0 : i32
      %dma_start3A_46 = tpu.memref_slice %arg5[%select_n3A, %dma_start3A_45] : memref<4x128xi32, #tpu.memory_space<vmem>> -> memref<1x128xi32, #tpu.memory_space<vmem>>
      %dma_start3A_47 = tpu.memref_squeeze %dma_start3A_46 : memref<1x128xi32, #tpu.memory_space<vmem>> -> memref<128xi32, #tpu.memory_space<vmem>>
      %dma_start3A_48 = arith.constant 0 : i32
      %dma_start3A_49 = arith.constant 0 : i32
      %dma_start3A_50 = tpu.memref_slice %arg2[%sub3A_44, %dma_start3A_48, %dma_start3A_49] : memref<26x100000x16xf32, #tpu.memory_space<hbm>> -> memref<1x100000x16xf32, #tpu.memory_space<hbm>>
      %dma_start3A_51 = tpu.memref_squeeze %dma_start3A_50 : memref<1x100000x16xf32, #tpu.memory_space<hbm>> -> memref<100000x16xf32, #tpu.memory_space<hbm>>
      %dma_start3A_52 = arith.constant 0 : i32
      %dma_start3A_53 = arith.constant 0 : i32
      %dma_start3A_54 = tpu.memref_slice %dma_start3A_51[%dma_start3A_52, %dma_start3A_53] : memref<100000x16xf32, #tpu.memory_space<hbm>> -> memref<100000x16xf32, #tpu.memory_space<hbm>>
      tpu.enqueue_indirect_dma source(%dma_start3A_54 : memref<100000x16xf32, #tpu.memory_space<hbm>>) target(%arg7 : memref<128x16xf32, #tpu.memory_space<vmem>>) offsets(%dma_start3A_47 : memref<128xi32, #tpu.memory_space<vmem>>) semaphore(%arg9 : memref<!tpu.dma_semaphore, #tpu.memory_space<semaphore_mem>>)
      %jit3A_55 = arith.constant 26 : i32
      %div3A_56 = arith.divsi %mul3A_23, %jit3A_55 : i32
      %sign3A_57 = arith.constant 0 : i32
      %sign3A_58 = arith.cmpi sgt, %mul3A_23, %sign3A_57 : i32
      %sign3A_59 = arith.extui %sign3A_58 : i1 to i32
      %sign3A_60 = arith.constant 0 : i32
      %sign3A_61 = arith.cmpi slt, %mul3A_23, %sign3A_60 : i32
      %sign3A_62 = arith.extui %sign3A_61 : i1 to i32
      %sign3A_63 = arith.subi %sign3A_59, %sign3A_62 : i32
      %sign3A_64 = arith.constant 0 : i32
      %sign3A_65 = arith.cmpi sgt, %jit3A_55, %sign3A_64 : i32
      %sign3A_66 = arith.extui %sign3A_65 : i1 to i32
      %sign3A_67 = arith.constant 0 : i32
      %sign3A_68 = arith.cmpi slt, %jit3A_55, %sign3A_67 : i32
      %sign3A_69 = arith.extui %sign3A_68 : i1 to i32
      %sign3A_70 = arith.subi %sign3A_66, %sign3A_69 : i32
      %ne3A_71 = arith.cmpi ne, %sign3A_63, %sign3A_70 : i32
      %rem3A_72 = arith.remsi %mul3A_23, %jit3A_55 : i32
      %ne3A_73 = arith.constant 0 : i32
      %ne3A_74 = arith.cmpi ne, %rem3A_72, %ne3A_73 : i32
      %and3A_75 = arith.andi %ne3A_71, %ne3A_74 : i1
      %sub3A_76 = arith.constant 1 : i32
      %sub3A_77 = arith.subi %div3A_56, %sub3A_76 : i32
      %select_n3A_78 = arith.select %and3A_75, %sub3A_77, %div3A_56 : i32
      %mul3A_79 = arith.constant 26 : i32
      %mul3A_80 = arith.muli %select_n3A_78, %mul3A_79 : i32
      %sub3A_81 = arith.subi %mul3A_23, %mul3A_80 : i32
      %jit3A_82 = arith.constant 26 : i32
      %div3A_83 = arith.divsi %mul3A_23, %jit3A_82 : i32
      %sign3A_84 = arith.constant 0 : i32
      %sign3A_85 = arith.cmpi sgt, %mul3A_23, %sign3A_84 : i32
      %sign3A_86 = arith.extui %sign3A_85 : i1 to i32
      %sign3A_87 = arith.constant 0 : i32
      %sign3A_88 = arith.cmpi slt, %mul3A_23, %sign3A_87 : i32
      %sign3A_89 = arith.extui %sign3A_88 : i1 to i32
      %sign3A_90 = arith.subi %sign3A_86, %sign3A_89 : i32
      %sign3A_91 = arith.constant 0 : i32
      %sign3A_92 = arith.cmpi sgt, %jit3A_82, %sign3A_91 : i32
      %sign3A_93 = arith.extui %sign3A_92 : i1 to i32
      %sign3A_94 = arith.constant 0 : i32
      %sign3A_95 = arith.cmpi slt, %jit3A_82, %sign3A_94 : i32
      %sign3A_96 = arith.extui %sign3A_95 : i1 to i32
      %sign3A_97 = arith.subi %sign3A_93, %sign3A_96 : i32
      %ne3A_98 = arith.cmpi ne, %sign3A_90, %sign3A_97 : i32
      %rem3A_99 = arith.remsi %mul3A_23, %jit3A_82 : i32
      %ne3A_100 = arith.constant 0 : i32
      %ne3A_101 = arith.cmpi ne, %rem3A_99, %ne3A_100 : i32
      %and3A_102 = arith.andi %ne3A_98, %ne3A_101 : i1
      %sub3A_103 = arith.constant 1 : i32
      %sub3A_104 = arith.subi %div3A_83, %sub3A_103 : i32
      %select_n3A_105 = arith.select %and3A_102, %sub3A_104, %div3A_83 : i32
      %mul3A_106 = arith.constant 26 : i32
      %mul3A_107 = arith.muli %select_n3A_105, %mul3A_106 : i32
      %sub3A_108 = arith.subi %mul3A_23, %mul3A_107 : i32
      %dma_wait3A = arith.constant 0 : i32
      %dma_wait3A_109 = tpu.memref_slice %arg5[%select_n3A_105, %dma_wait3A] : memref<4x128xi32, #tpu.memory_space<vmem>> -> memref<1x128xi32, #tpu.memory_space<vmem>>
      %dma_wait3A_110 = tpu.memref_squeeze %dma_wait3A_109 : memref<1x128xi32, #tpu.memory_space<vmem>> -> memref<128xi32, #tpu.memory_space<vmem>>
      %dma_wait3A_111 = arith.constant 0 : i32
      %dma_wait3A_112 = arith.constant 0 : i32
      %dma_wait3A_113 = tpu.memref_slice %arg2[%sub3A_108, %dma_wait3A_111, %dma_wait3A_112] : memref<26x100000x16xf32, #tpu.memory_space<hbm>> -> memref<1x100000x16xf32, #tpu.memory_space<hbm>>
      %dma_wait3A_114 = tpu.memref_squeeze %dma_wait3A_113 : memref<1x100000x16xf32, #tpu.memory_space<hbm>> -> memref<100000x16xf32, #tpu.memory_space<hbm>>
      %dma_wait3A_115 = arith.constant 0 : i32
      %dma_wait3A_116 = arith.constant 0 : i32
      %dma_wait3A_117 = tpu.memref_slice %dma_wait3A_114[%dma_wait3A_115, %dma_wait3A_116] : memref<100000x16xf32, #tpu.memory_space<hbm>> -> memref<100000x16xf32, #tpu.memory_space<hbm>>
      tpu.wait_indirect_dma semaphore(%arg8 : memref<!tpu.dma_semaphore, #tpu.memory_space<semaphore_mem>>) src(%dma_wait3A_117 : memref<100000x16xf32, #tpu.memory_space<hbm>>) dst(%arg6 : memref<128x16xf32, #tpu.memory_space<vmem>>)
      %mul3A_118 = arith.constant 128 : i32
      %mul3A_119 = arith.muli %select_n3A_78, %mul3A_118 : i32
      %add3A_120 = arith.addi %mul3A_4, %mul3A_119 : i32
      %mul3A_121 = arith.constant 16 : i32
      %mul3A_122 = arith.muli %sub3A_81, %mul3A_121 : i32
      "tpu.region"() ({
        %run_scoped3A = tpu.sem_alloc : memref<!tpu.dma_semaphore, #tpu.memory_space<semaphore_mem>>
        %dma_start3A_198 = tpu.memref_slice %arg4[%add3A_120, %mul3A_122] : memref<16384x416xf32, #tpu.memory_space<hbm>> -> memref<128x16xf32, #tpu.memory_space<hbm>>
        %dma_start3A_199 = tpu.memref_slice %arg4[%add3A_120, %mul3A_122] : memref<16384x416xf32, #tpu.memory_space<hbm>> -> memref<128x16xf32, #tpu.memory_space<hbm>>
        tpu.enqueue_dma source(%arg6 : memref<128x16xf32, #tpu.memory_space<vmem>>) target(%dma_start3A_199 : memref<128x16xf32, #tpu.memory_space<hbm>>) target_semaphore(%run_scoped3A : memref<!tpu.dma_semaphore, #tpu.memory_space<semaphore_mem>>)
        %dma_wait3A_200 = tpu.memref_slice %arg4[%add3A_120, %mul3A_122] : memref<16384x416xf32, #tpu.memory_space<hbm>> -> memref<128x16xf32, #tpu.memory_space<hbm>>
        %dma_wait3A_201 = tpu.memref_slice %arg4[%add3A_120, %mul3A_122] : memref<16384x416xf32, #tpu.memory_space<hbm>> -> memref<128x16xf32, #tpu.memory_space<hbm>>
        tpu.wait_dma2 semaphore(%run_scoped3A : memref<!tpu.dma_semaphore, #tpu.memory_space<semaphore_mem>>) src(%arg6 : memref<128x16xf32, #tpu.memory_space<vmem>>) dst(%dma_wait3A_201 : memref<128x16xf32, #tpu.memory_space<hbm>>)
        tpu.yield
      }) : () -> ()
      %add3A_123 = arith.constant 2 : i32
      %add3A_124 = arith.addi %mul3A_23, %add3A_123 : i32
      %lt3A = arith.constant 104 : i32
      %lt3A_125 = arith.cmpi slt, %add3A_124, %lt3A : i32
      %convert_element_type3A = arith.extui %lt3A_125 : i1 to i32
      %cond3A = arith.constant 0 : i32
      %cond3A_126 = arith.cmpi ne, %convert_element_type3A, %cond3A : i32
      scf.if %cond3A_126 {
        %add3A_198 = arith.constant 2 : i32
        %add3A_199 = arith.addi %mul3A_23, %add3A_198 : i32
        %jit3A_200 = arith.constant 26 : i32
        %div3A_201 = arith.divsi %add3A_199, %jit3A_200 : i32
        %sign3A_202 = arith.constant 0 : i32
        %sign3A_203 = arith.cmpi sgt, %add3A_199, %sign3A_202 : i32
        %sign3A_204 = arith.extui %sign3A_203 : i1 to i32
        %sign3A_205 = arith.constant 0 : i32
        %sign3A_206 = arith.cmpi slt, %add3A_199, %sign3A_205 : i32
        %sign3A_207 = arith.extui %sign3A_206 : i1 to i32
        %sign3A_208 = arith.subi %sign3A_204, %sign3A_207 : i32
        %sign3A_209 = arith.constant 0 : i32
        %sign3A_210 = arith.cmpi sgt, %jit3A_200, %sign3A_209 : i32
        %sign3A_211 = arith.extui %sign3A_210 : i1 to i32
        %sign3A_212 = arith.constant 0 : i32
        %sign3A_213 = arith.cmpi slt, %jit3A_200, %sign3A_212 : i32
        %sign3A_214 = arith.extui %sign3A_213 : i1 to i32
        %sign3A_215 = arith.subi %sign3A_211, %sign3A_214 : i32
        %ne3A_216 = arith.cmpi ne, %sign3A_208, %sign3A_215 : i32
        %rem3A_217 = arith.remsi %add3A_199, %jit3A_200 : i32
        %ne3A_218 = arith.constant 0 : i32
        %ne3A_219 = arith.cmpi ne, %rem3A_217, %ne3A_218 : i32
        %and3A_220 = arith.andi %ne3A_216, %ne3A_219 : i1
        %sub3A_221 = arith.constant 1 : i32
        %sub3A_222 = arith.subi %div3A_201, %sub3A_221 : i32
        %select_n3A_223 = arith.select %and3A_220, %sub3A_222, %div3A_201 : i32
        %mul3A_224 = arith.constant 26 : i32
        %mul3A_225 = arith.muli %select_n3A_223, %mul3A_224 : i32
        %sub3A_226 = arith.subi %add3A_199, %mul3A_225 : i32
        %dma_start3A_227 = arith.constant 0 : i32
        %dma_start3A_228 = tpu.memref_slice %arg5[%select_n3A_223, %dma_start3A_227] : memref<4x128xi32, #tpu.memory_space<vmem>> -> memref<1x128xi32, #tpu.memory_space<vmem>>
        %dma_start3A_229 = tpu.memref_squeeze %dma_start3A_228 : memref<1x128xi32, #tpu.memory_space<vmem>> -> memref<128xi32, #tpu.memory_space<vmem>>
        %dma_start3A_230 = arith.constant 0 : i32
        %dma_start3A_231 = arith.constant 0 : i32
        %dma_start3A_232 = tpu.memref_slice %arg2[%sub3A_226, %dma_start3A_230, %dma_start3A_231] : memref<26x100000x16xf32, #tpu.memory_space<hbm>> -> memref<1x100000x16xf32, #tpu.memory_space<hbm>>
        %dma_start3A_233 = tpu.memref_squeeze %dma_start3A_232 : memref<1x100000x16xf32, #tpu.memory_space<hbm>> -> memref<100000x16xf32, #tpu.memory_space<hbm>>
        %dma_start3A_234 = arith.constant 0 : i32
        %dma_start3A_235 = arith.constant 0 : i32
        %dma_start3A_236 = tpu.memref_slice %dma_start3A_233[%dma_start3A_234, %dma_start3A_235] : memref<100000x16xf32, #tpu.memory_space<hbm>> -> memref<100000x16xf32, #tpu.memory_space<hbm>>
        tpu.enqueue_indirect_dma source(%dma_start3A_236 : memref<100000x16xf32, #tpu.memory_space<hbm>>) target(%arg6 : memref<128x16xf32, #tpu.memory_space<vmem>>) offsets(%dma_start3A_229 : memref<128xi32, #tpu.memory_space<vmem>>) semaphore(%arg8 : memref<!tpu.dma_semaphore, #tpu.memory_space<semaphore_mem>>)
      } else {
      }
      %add3A_127 = arith.constant 1 : i32
      %add3A_128 = arith.addi %mul3A_23, %add3A_127 : i32
      %jit3A_129 = arith.constant 26 : i32
      %div3A_130 = arith.divsi %add3A_128, %jit3A_129 : i32
      %sign3A_131 = arith.constant 0 : i32
      %sign3A_132 = arith.cmpi sgt, %add3A_128, %sign3A_131 : i32
      %sign3A_133 = arith.extui %sign3A_132 : i1 to i32
      %sign3A_134 = arith.constant 0 : i32
      %sign3A_135 = arith.cmpi slt, %add3A_128, %sign3A_134 : i32
      %sign3A_136 = arith.extui %sign3A_135 : i1 to i32
      %sign3A_137 = arith.subi %sign3A_133, %sign3A_136 : i32
      %sign3A_138 = arith.constant 0 : i32
      %sign3A_139 = arith.cmpi sgt, %jit3A_129, %sign3A_138 : i32
      %sign3A_140 = arith.extui %sign3A_139 : i1 to i32
      %sign3A_141 = arith.constant 0 : i32
      %sign3A_142 = arith.cmpi slt, %jit3A_129, %sign3A_141 : i32
      %sign3A_143 = arith.extui %sign3A_142 : i1 to i32
      %sign3A_144 = arith.subi %sign3A_140, %sign3A_143 : i32
      %ne3A_145 = arith.cmpi ne, %sign3A_137, %sign3A_144 : i32
      %rem3A_146 = arith.remsi %add3A_128, %jit3A_129 : i32
      %ne3A_147 = arith.constant 0 : i32
      %ne3A_148 = arith.cmpi ne, %rem3A_146, %ne3A_147 : i32
      %and3A_149 = arith.andi %ne3A_145, %ne3A_148 : i1
      %sub3A_150 = arith.constant 1 : i32
      %sub3A_151 = arith.subi %div3A_130, %sub3A_150 : i32
      %select_n3A_152 = arith.select %and3A_149, %sub3A_151, %div3A_130 : i32
      %mul3A_153 = arith.constant 26 : i32
      %mul3A_154 = arith.muli %select_n3A_152, %mul3A_153 : i32
      %sub3A_155 = arith.subi %add3A_128, %mul3A_154 : i32
      %jit3A_156 = arith.constant 26 : i32
      %div3A_157 = arith.divsi %add3A_128, %jit3A_156 : i32
      %sign3A_158 = arith.constant 0 : i32
      %sign3A_159 = arith.cmpi sgt, %add3A_128, %sign3A_158 : i32
      %sign3A_160 = arith.extui %sign3A_159 : i1 to i32
      %sign3A_161 = arith.constant 0 : i32
      %sign3A_162 = arith.cmpi slt, %add3A_128, %sign3A_161 : i32
      %sign3A_163 = arith.extui %sign3A_162 : i1 to i32
      %sign3A_164 = arith.subi %sign3A_160, %sign3A_163 : i32
      %sign3A_165 = arith.constant 0 : i32
      %sign3A_166 = arith.cmpi sgt, %jit3A_156, %sign3A_165 : i32
      %sign3A_167 = arith.extui %sign3A_166 : i1 to i32
      %sign3A_168 = arith.constant 0 : i32
      %sign3A_169 = arith.cmpi slt, %jit3A_156, %sign3A_168 : i32
      %sign3A_170 = arith.extui %sign3A_169 : i1 to i32
      %sign3A_171 = arith.subi %sign3A_167, %sign3A_170 : i32
      %ne3A_172 = arith.cmpi ne, %sign3A_164, %sign3A_171 : i32
      %rem3A_173 = arith.remsi %add3A_128, %jit3A_156 : i32
      %ne3A_174 = arith.constant 0 : i32
      %ne3A_175 = arith.cmpi ne, %rem3A_173, %ne3A_174 : i32
      %and3A_176 = arith.andi %ne3A_172, %ne3A_175 : i1
      %sub3A_177 = arith.constant 1 : i32
      %sub3A_178 = arith.subi %div3A_157, %sub3A_177 : i32
      %select_n3A_179 = arith.select %and3A_176, %sub3A_178, %div3A_157 : i32
      %mul3A_180 = arith.constant 26 : i32
      %mul3A_181 = arith.muli %select_n3A_179, %mul3A_180 : i32
      %sub3A_182 = arith.subi %add3A_128, %mul3A_181 : i32
      %dma_wait3A_183 = arith.constant 0 : i32
      %dma_wait3A_184 = tpu.memref_slice %arg5[%select_n3A_179, %dma_wait3A_183] : memref<4x128xi32, #tpu.memory_space<vmem>> -> memref<1x128xi32, #tpu.memory_space<vmem>>
      %dma_wait3A_185 = tpu.memref_squeeze %dma_wait3A_184 : memref<1x128xi32, #tpu.memory_space<vmem>> -> memref<128xi32, #tpu.memory_space<vmem>>
      %dma_wait3A_186 = arith.constant 0 : i32
      %dma_wait3A_187 = arith.constant 0 : i32
      %dma_wait3A_188 = tpu.memref_slice %arg2[%sub3A_182, %dma_wait3A_186, %dma_wait3A_187] : memref<26x100000x16xf32, #tpu.memory_space<hbm>> -> memref<1x100000x16xf32, #tpu.memory_space<hbm>>
      %dma_wait3A_189 = tpu.memref_squeeze %dma_wait3A_188 : memref<1x100000x16xf32, #tpu.memory_space<hbm>> -> memref<100000x16xf32, #tpu.memory_space<hbm>>
      %dma_wait3A_190 = arith.constant 0 : i32
      %dma_wait3A_191 = arith.constant 0 : i32
      %dma_wait3A_192 = tpu.memref_slice %dma_wait3A_189[%dma_wait3A_190, %dma_wait3A_191] : memref<100000x16xf32, #tpu.memory_space<hbm>> -> memref<100000x16xf32, #tpu.memory_space<hbm>>
      tpu.wait_indirect_dma semaphore(%arg9 : memref<!tpu.dma_semaphore, #tpu.memory_space<semaphore_mem>>) src(%dma_wait3A_192 : memref<100000x16xf32, #tpu.memory_space<hbm>>) dst(%arg7 : memref<128x16xf32, #tpu.memory_space<vmem>>)
      %mul3A_193 = arith.constant 128 : i32
      %mul3A_194 = arith.muli %select_n3A_152, %mul3A_193 : i32
      %add3A_195 = arith.addi %mul3A_4, %mul3A_194 : i32
      %mul3A_196 = arith.constant 16 : i32
      %mul3A_197 = arith.muli %sub3A_155, %mul3A_196 : i32
      "tpu.region"() ({
        %run_scoped3A = tpu.sem_alloc : memref<!tpu.dma_semaphore, #tpu.memory_space<semaphore_mem>>
        %dma_start3A_198 = tpu.memref_slice %arg4[%add3A_195, %mul3A_197] : memref<16384x416xf32, #tpu.memory_space<hbm>> -> memref<128x16xf32, #tpu.memory_space<hbm>>
        %dma_start3A_199 = tpu.memref_slice %arg4[%add3A_195, %mul3A_197] : memref<16384x416xf32, #tpu.memory_space<hbm>> -> memref<128x16xf32, #tpu.memory_space<hbm>>
        tpu.enqueue_dma source(%arg7 : memref<128x16xf32, #tpu.memory_space<vmem>>) target(%dma_start3A_199 : memref<128x16xf32, #tpu.memory_space<hbm>>) target_semaphore(%run_scoped3A : memref<!tpu.dma_semaphore, #tpu.memory_space<semaphore_mem>>)
        %dma_wait3A_200 = tpu.memref_slice %arg4[%add3A_195, %mul3A_197] : memref<16384x416xf32, #tpu.memory_space<hbm>> -> memref<128x16xf32, #tpu.memory_space<hbm>>
        %dma_wait3A_201 = tpu.memref_slice %arg4[%add3A_195, %mul3A_197] : memref<16384x416xf32, #tpu.memory_space<hbm>> -> memref<128x16xf32, #tpu.memory_space<hbm>>
        tpu.wait_dma2 semaphore(%run_scoped3A : memref<!tpu.dma_semaphore, #tpu.memory_space<semaphore_mem>>) src(%arg7 : memref<128x16xf32, #tpu.memory_space<vmem>>) dst(%dma_wait3A_201 : memref<128x16xf32, #tpu.memory_space<hbm>>)
        tpu.yield
      }) : () -> ()
    }
    %scan3A_20 = arith.constant 52 : i32
    return
  }
}

module attributes {stable_mosaic.version = 14 : i64} {
  func.func @_pass_a(%arg0: i32, %arg1: memref<1024x416xf32, #tpu.memory_space<vmem>>, %arg2: memref<1024x13xf32, #tpu.memory_space<vmem>>, %arg3: memref<429x2xf32, #tpu.memory_space<vmem>>, %arg4: memref<8x416xf32, #tpu.memory_space<vmem>>, %arg5: memref<8x13xf32, #tpu.memory_space<vmem>>, %arg6: memref<1024x2xf32, #tpu.memory_space<vmem>>) attributes {dimension_semantics = [#tpu.dimension_semantics<arbitrary>], iteration_bounds = array<i64: 16>, scalar_prefetch = 0 : i64, scratch_operands = 0 : i64, tpu.core_type = #tpu.core_type<tc>, window_params = [{transform_indices = @transform_0, window_bounds = array<i64: 1024, 416>}, {transform_indices = @transform_1, window_bounds = array<i64: 1024, 13>}, {pipeline_mode = #tpu.pipeline_mode<synchronous>, transform_indices = @transform_2, window_bounds = array<i64: 429, 2>}, {pipeline_mode = #tpu.pipeline_mode<synchronous>, transform_indices = @transform_3, window_bounds = array<i64: 8, 416>}, {pipeline_mode = #tpu.pipeline_mode<synchronous>, transform_indices = @transform_4, window_bounds = array<i64: 8, 13>}, {transform_indices = @transform_5, window_bounds = array<i64: 1024, 2>}]} {
    %get3A = arith.constant 0 : index
    %get3A_0 = arith.constant 0 : index
    %get3A_1 = vector.load %arg1[%get3A, %get3A_0] : memref<1024x416xf32, #tpu.memory_space<vmem>>, vector<1024x416xf32>
    %get3A_2 = arith.constant 0 : index
    %get3A_3 = arith.constant 0 : index
    %get3A_4 = vector.load %arg2[%get3A_2, %get3A_3] : memref<1024x13xf32, #tpu.memory_space<vmem>>, vector<1024x13xf32>
    %get3A_5 = arith.constant 0 : index
    %get3A_6 = arith.constant 0 : index
    %get3A_7 = vector.load %arg3[%get3A_5, %get3A_6] : memref<429x2xf32, #tpu.memory_space<vmem>>, vector<416x2xf32>
    %dot_general3A = arith.constant dense<0.000000e+00> : vector<1024x2xf32>
    %dot_general3A_8 = tpu.matmul %get3A_1, %get3A_7, %dot_general3A {dimension_numbers = #tpu.dot_dimension_numbers<[1], [0], [0], [1], [0, 0, 1, 1], [], []>, precision = #tpu.contract_precision<fp32>, transpose_lhs_hint = false} : vector<1024x416xf32>, vector<416x2xf32>, vector<1024x2xf32> -> vector<1024x2xf32>
    %get3A_9 = arith.constant 416 : index
    %get3A_10 = arith.constant 0 : index
    %get3A_11 = vector.load %arg3[%get3A_9, %get3A_10] : memref<429x2xf32, #tpu.memory_space<vmem>>, vector<13x2xf32>
    %dot_general3A_12 = arith.constant dense<0.000000e+00> : vector<1024x2xf32>
    %dot_general3A_13 = tpu.matmul %get3A_4, %get3A_11, %dot_general3A_12 {dimension_numbers = #tpu.dot_dimension_numbers<[1], [0], [0], [1], [0, 0, 1, 1], [], []>, precision = #tpu.contract_precision<fp32>, transpose_lhs_hint = false} : vector<1024x13xf32>, vector<13x2xf32>, vector<1024x2xf32> -> vector<1024x2xf32>
    %add3A = arith.addf %dot_general3A_8, %dot_general3A_13 : vector<1024x2xf32>
    %swap3A = arith.constant 0 : index
    %swap3A_14 = arith.constant 0 : index
    %swap3A_15 = vector.load %arg6[%swap3A, %swap3A_14] : memref<1024x2xf32, #tpu.memory_space<vmem>>, vector<1024x2xf32>
    tpu.vector_store %arg6[%swap3A, %swap3A_14], %add3A {strides = array<i32>} : memref<1024x2xf32, #tpu.memory_space<vmem>>, vector<1024x2xf32>,
    %eq3A = arith.constant 0 : i32
    %eq3A_16 = arith.cmpi eq, %arg0, %eq3A : i32
    %convert_element_type3A = arith.extui %eq3A_16 : i1 to i32
    %cond3A = arith.constant 0 : i32
    %cond3A_17 = arith.cmpi ne, %convert_element_type3A, %cond3A : i32
    scf.if %cond3A_17 {
      %broadcast_in_dim3A_44 = arith.constant 0.000000e+00 : f32
      %broadcast_in_dim3A_45 = vector.broadcast %broadcast_in_dim3A_44 : f32 to vector<8x416xf32>
      %swap3A_46 = arith.constant 0 : index
      %swap3A_47 = arith.constant 0 : index
      %swap3A_48 = vector.load %arg4[%swap3A_46, %swap3A_47] : memref<8x416xf32, #tpu.memory_space<vmem>>, vector<8x416xf32>
      tpu.vector_store %arg4[%swap3A_46, %swap3A_47], %broadcast_in_dim3A_45 {strides = array<i32>} : memref<8x416xf32, #tpu.memory_space<vmem>>, vector<8x416xf32>,
      %broadcast_in_dim3A_49 = arith.constant 0.000000e+00 : f32
      %broadcast_in_dim3A_50 = vector.broadcast %broadcast_in_dim3A_49 : f32 to vector<8x13xf32>
      %swap3A_51 = arith.constant 0 : index
      %swap3A_52 = arith.constant 0 : index
      %swap3A_53 = vector.load %arg5[%swap3A_51, %swap3A_52] : memref<8x13xf32, #tpu.memory_space<vmem>>, vector<8x13xf32>
      tpu.vector_store %arg5[%swap3A_51, %swap3A_52], %broadcast_in_dim3A_50 {strides = array<i32>} : memref<8x13xf32, #tpu.memory_space<vmem>>, vector<8x13xf32>,
    } else {
    }
    %get3A_18 = arith.constant 0 : index
    %get3A_19 = arith.constant 0 : index
    %get3A_20 = vector.load %arg4[%get3A_18, %get3A_19] : memref<8x416xf32, #tpu.memory_space<vmem>>, vector<2x416xf32>
    %reduce_sum3A = arith.constant dense<0.000000e+00> : vector<416xf32>
    %reduce_sum3A_21 = vector.multi_reduction <add>, %get3A_1, %reduce_sum3A [0] : vector<1024x416xf32> to vector<416xf32>
    %broadcast_in_dim3A = vector.shape_cast %reduce_sum3A_21 : vector<416xf32> to vector<1x416xf32>
    %mul3A = arith.mulf %get3A_1, %get3A_1 : vector<1024x416xf32>
    %reduce_sum3A_22 = arith.constant dense<0.000000e+00> : vector<416xf32>
    %reduce_sum3A_23 = vector.multi_reduction <add>, %mul3A, %reduce_sum3A_22 [0] : vector<1024x416xf32> to vector<416xf32>
    %broadcast_in_dim3A_24 = vector.shape_cast %reduce_sum3A_23 : vector<416xf32> to vector<1x416xf32>
    %concatenate3A = tpu.concatenate %broadcast_in_dim3A, %broadcast_in_dim3A_24 in 0 : vector<1x416xf32>, vector<1x416xf32> -> vector<2x416xf32>
    %add3A_25 = arith.addf %get3A_20, %concatenate3A : vector<2x416xf32>
    %swap3A_26 = arith.constant 0 : index
    %swap3A_27 = arith.constant 0 : index
    %swap3A_28 = vector.load %arg4[%swap3A_26, %swap3A_27] : memref<8x416xf32, #tpu.memory_space<vmem>>, vector<2x416xf32>
    tpu.vector_store %arg4[%swap3A_26, %swap3A_27], %add3A_25 {strides = array<i32>} : memref<8x416xf32, #tpu.memory_space<vmem>>, vector<2x416xf32>,
    %get3A_29 = arith.constant 0 : index
    %get3A_30 = arith.constant 0 : index
    %get3A_31 = vector.load %arg5[%get3A_29, %get3A_30] : memref<8x13xf32, #tpu.memory_space<vmem>>, vector<2x13xf32>
    %reduce_sum3A_32 = arith.constant dense<0.000000e+00> : vector<13xf32>
    %reduce_sum3A_33 = vector.multi_reduction <add>, %get3A_4, %reduce_sum3A_32 [0] : vector<1024x13xf32> to vector<13xf32>
    %broadcast_in_dim3A_34 = vector.shape_cast %reduce_sum3A_33 : vector<13xf32> to vector<1x13xf32>
    %mul3A_35 = arith.mulf %get3A_4, %get3A_4 : vector<1024x13xf32>
    %reduce_sum3A_36 = arith.constant dense<0.000000e+00> : vector<13xf32>
    %reduce_sum3A_37 = vector.multi_reduction <add>, %mul3A_35, %reduce_sum3A_36 [0] : vector<1024x13xf32> to vector<13xf32>
    %broadcast_in_dim3A_38 = vector.shape_cast %reduce_sum3A_37 : vector<13xf32> to vector<1x13xf32>
    %concatenate3A_39 = tpu.concatenate %broadcast_in_dim3A_34, %broadcast_in_dim3A_38 in 0 : vector<1x13xf32>, vector<1x13xf32> -> vector<2x13xf32>
    %add3A_40 = arith.addf %get3A_31, %concatenate3A_39 : vector<2x13xf32>
    %swap3A_41 = arith.constant 0 : index
    %swap3A_42 = arith.constant 0 : index
    %swap3A_43 = vector.load %arg5[%swap3A_41, %swap3A_42] : memref<8x13xf32, #tpu.memory_space<vmem>>, vector<2x13xf32>
    tpu.vector_store %arg5[%swap3A_41, %swap3A_42], %add3A_40 {strides = array<i32>} : memref<8x13xf32, #tpu.memory_space<vmem>>, vector<2x13xf32>,
    return
  }
  func.func @transform_0(%arg0: i32) -> (i32, i32) {
    %c0_i32 = arith.constant 0 : i32
    %c0_i32_0 = arith.constant 0 : i32
    return %arg0, %c0_i32 : i32, i32
  }
  func.func @transform_1(%arg0: i32) -> (i32, i32) {
    %c0_i32 = arith.constant 0 : i32
    %c0_i32_0 = arith.constant 0 : i32
    return %arg0, %c0_i32 : i32, i32
  }
  func.func @transform_2(%arg0: i32) -> (i32, i32) {
    %c0_i32 = arith.constant 0 : i32
    %c0_i32_0 = arith.constant 0 : i32
    %c0_i32_1 = arith.constant 0 : i32
    return %c0_i32, %c0_i32_0 : i32, i32
  }
  func.func @transform_3(%arg0: i32) -> (i32, i32) {
    %c0_i32 = arith.constant 0 : i32
    %c0_i32_0 = arith.constant 0 : i32
    %c0_i32_1 = arith.constant 0 : i32
    return %c0_i32, %c0_i32_0 : i32, i32
  }
  func.func @transform_4(%arg0: i32) -> (i32, i32) {
    %c0_i32 = arith.constant 0 : i32
    %c0_i32_0 = arith.constant 0 : i32
    %c0_i32_1 = arith.constant 0 : i32
    return %c0_i32, %c0_i32_0 : i32, i32
  }
  func.func @transform_5(%arg0: i32) -> (i32, i32) {
    %c0_i32 = arith.constant 0 : i32
    %c0_i32_0 = arith.constant 0 : i32
    return %arg0, %c0_i32 : i32, i32
  }
}

module attributes {stable_mosaic.version = 14 : i64} {
  func.func @_pass_b(%arg0: i32, %arg1: memref<1024x416xf32, #tpu.memory_space<vmem>>, %arg2: memref<1024x13xf32, #tpu.memory_space<vmem>>, %arg3: memref<8x416xf32, #tpu.memory_space<vmem>>, %arg4: memref<8x13xf32, #tpu.memory_space<vmem>>, %arg5: memref<1x416xf32, #tpu.memory_space<vmem>>, %arg6: memref<1x416xf32, #tpu.memory_space<vmem>>, %arg7: memref<1x13xf32, #tpu.memory_space<vmem>>, %arg8: memref<1x13xf32, #tpu.memory_space<vmem>>, %arg9: memref<429x256xf32, #tpu.memory_space<vmem>>, %arg10: memref<1x256xf32, #tpu.memory_space<vmem>>, %arg11: memref<1024x256xf32, #tpu.memory_space<vmem>>, %arg12: memref<8x256xf32, #tpu.memory_space<vmem>>) attributes {dimension_semantics = [#tpu.dimension_semantics<arbitrary>], iteration_bounds = array<i64: 16>, scalar_prefetch = 0 : i64, scratch_operands = 0 : i64, tpu.core_type = #tpu.core_type<tc>, window_params = [{transform_indices = @transform_0, window_bounds = array<i64: 1024, 416>}, {transform_indices = @transform_1, window_bounds = array<i64: 1024, 13>}, {pipeline_mode = #tpu.pipeline_mode<synchronous>, transform_indices = @transform_2, window_bounds = array<i64: 8, 416>}, {pipeline_mode = #tpu.pipeline_mode<synchronous>, transform_indices = @transform_3, window_bounds = array<i64: 8, 13>}, {pipeline_mode = #tpu.pipeline_mode<synchronous>, transform_indices = @transform_4, window_bounds = array<i64: 1, 416>}, {pipeline_mode = #tpu.pipeline_mode<synchronous>, transform_indices = @transform_5, window_bounds = array<i64: 1, 416>}, {pipeline_mode = #tpu.pipeline_mode<synchronous>, transform_indices = @transform_6, window_bounds = array<i64: 1, 13>}, {pipeline_mode = #tpu.pipeline_mode<synchronous>, transform_indices = @transform_7, window_bounds = array<i64: 1, 13>}, {pipeline_mode = #tpu.pipeline_mode<synchronous>, transform_indices = @transform_8, window_bounds = array<i64: 429, 256>}, {pipeline_mode = #tpu.pipeline_mode<synchronous>, transform_indices = @transform_9, window_bounds = array<i64: 1, 256>}, {transform_indices = @transform_10, window_bounds = array<i64: 1024, 256>}, {pipeline_mode = #tpu.pipeline_mode<synchronous>, transform_indices = @transform_11, window_bounds = array<i64: 8, 256>}]} {
    %get3A = arith.constant 0 : index
    %get3A_0 = arith.constant 0 : index
    %get3A_1 = vector.load %arg1[%get3A, %get3A_0] : memref<1024x416xf32, #tpu.memory_space<vmem>>, vector<1024x416xf32>
    %get3A_2 = arith.constant 0 : index
    %get3A_3 = arith.constant 0 : index
    %get3A_4 = vector.load %arg3[%get3A_2, %get3A_3] : memref<8x416xf32, #tpu.memory_space<vmem>>, vector<1x416xf32>
    %mul3A = arith.constant 6.10351563E-5 : f32
    %mul3A_5 = vector.broadcast %mul3A : f32 to vector<1x416xf32>
    %mul3A_6 = arith.mulf %get3A_4, %mul3A_5 : vector<1x416xf32>
    %get3A_7 = arith.constant 1 : index
    %get3A_8 = arith.constant 0 : index
    %get3A_9 = vector.load %arg3[%get3A_7, %get3A_8] : memref<8x416xf32, #tpu.memory_space<vmem>>, vector<1x416xf32>
    %mul3A_10 = arith.constant 6.10351563E-5 : f32
    %mul3A_11 = vector.broadcast %mul3A_10 : f32 to vector<1x416xf32>
    %mul3A_12 = arith.mulf %get3A_9, %mul3A_11 : vector<1x416xf32>
    %mul3A_13 = arith.mulf %mul3A_6, %mul3A_6 : vector<1x416xf32>
    %sub3A = arith.subf %mul3A_12, %mul3A_13 : vector<1x416xf32>
    %add3A = arith.constant 9.99999974E-6 : f32
    %add3A_14 = vector.broadcast %add3A : f32 to vector<1x416xf32>
    %add3A_15 = arith.addf %sub3A, %add3A_14 : vector<1x416xf32>
    %rsqrt3A = math.rsqrt %add3A_15 : vector<1x416xf32>
    %get3A_16 = arith.constant 0 : index
    %get3A_17 = arith.constant 0 : index
    %get3A_18 = vector.load %arg5[%get3A_16, %get3A_17] : memref<1x416xf32, #tpu.memory_space<vmem>>, vector<1x416xf32>
    %mul3A_19 = arith.mulf %rsqrt3A, %get3A_18 : vector<1x416xf32>
    %sub3A_20 = vector.broadcast %mul3A_6 : vector<1x416xf32> to vector<1024x416xf32>
    %sub3A_21 = arith.subf %get3A_1, %sub3A_20 : vector<1024x416xf32>
    %mul3A_22 = vector.broadcast %mul3A_19 : vector<1x416xf32> to vector<1024x416xf32>
    %mul3A_23 = arith.mulf %sub3A_21, %mul3A_22 : vector<1024x416xf32>
    %get3A_24 = arith.constant 0 : index
    %get3A_25 = arith.constant 0 : index
    %get3A_26 = vector.load %arg6[%get3A_24, %get3A_25] : memref<1x416xf32, #tpu.memory_space<vmem>>, vector<1x416xf32>
    %add3A_27 = vector.broadcast %get3A_26 : vector<1x416xf32> to vector<1024x416xf32>
    %add3A_28 = arith.addf %mul3A_23, %add3A_27 : vector<1024x416xf32>
    %get3A_29 = arith.constant 0 : index
    %get3A_30 = arith.constant 0 : index
    %get3A_31 = vector.load %arg2[%get3A_29, %get3A_30] : memref<1024x13xf32, #tpu.memory_space<vmem>>, vector<1024x13xf32>
    %get3A_32 = arith.constant 0 : index
    %get3A_33 = arith.constant 0 : index
    %get3A_34 = vector.load %arg4[%get3A_32, %get3A_33] : memref<8x13xf32, #tpu.memory_space<vmem>>, vector<1x13xf32>
    %mul3A_35 = arith.constant 6.10351563E-5 : f32
    %mul3A_36 = vector.broadcast %mul3A_35 : f32 to vector<1x13xf32>
    %mul3A_37 = arith.mulf %get3A_34, %mul3A_36 : vector<1x13xf32>
    %get3A_38 = arith.constant 1 : index
    %get3A_39 = arith.constant 0 : index
    %get3A_40 = vector.load %arg4[%get3A_38, %get3A_39] : memref<8x13xf32, #tpu.memory_space<vmem>>, vector<1x13xf32>
    %mul3A_41 = arith.constant 6.10351563E-5 : f32
    %mul3A_42 = vector.broadcast %mul3A_41 : f32 to vector<1x13xf32>
    %mul3A_43 = arith.mulf %get3A_40, %mul3A_42 : vector<1x13xf32>
    %mul3A_44 = arith.mulf %mul3A_37, %mul3A_37 : vector<1x13xf32>
    %sub3A_45 = arith.subf %mul3A_43, %mul3A_44 : vector<1x13xf32>
    %add3A_46 = arith.constant 9.99999974E-6 : f32
    %add3A_47 = vector.broadcast %add3A_46 : f32 to vector<1x13xf32>
    %add3A_48 = arith.addf %sub3A_45, %add3A_47 : vector<1x13xf32>
    %rsqrt3A_49 = math.rsqrt %add3A_48 : vector<1x13xf32>
    %get3A_50 = arith.constant 0 : index
    %get3A_51 = arith.constant 0 : index
    %get3A_52 = vector.load %arg7[%get3A_50, %get3A_51] : memref<1x13xf32, #tpu.memory_space<vmem>>, vector<1x13xf32>
    %mul3A_53 = arith.mulf %rsqrt3A_49, %get3A_52 : vector<1x13xf32>
    %sub3A_54 = vector.broadcast %mul3A_37 : vector<1x13xf32> to vector<1024x13xf32>
    %sub3A_55 = arith.subf %get3A_31, %sub3A_54 : vector<1024x13xf32>
    %mul3A_56 = vector.broadcast %mul3A_53 : vector<1x13xf32> to vector<1024x13xf32>
    %mul3A_57 = arith.mulf %sub3A_55, %mul3A_56 : vector<1024x13xf32>
    %get3A_58 = arith.constant 0 : index
    %get3A_59 = arith.constant 0 : index
    %get3A_60 = vector.load %arg8[%get3A_58, %get3A_59] : memref<1x13xf32, #tpu.memory_space<vmem>>, vector<1x13xf32>
    %add3A_61 = vector.broadcast %get3A_60 : vector<1x13xf32> to vector<1024x13xf32>
    %add3A_62 = arith.addf %mul3A_57, %add3A_61 : vector<1024x13xf32>
    %get3A_63 = arith.constant 0 : index
    %get3A_64 = arith.constant 0 : index
    %get3A_65 = vector.load %arg9[%get3A_63, %get3A_64] : memref<429x256xf32, #tpu.memory_space<vmem>>, vector<416x256xf32>
    %dot_general3A = arith.constant dense<0.000000e+00> : vector<1024x256xf32>
    %dot_general3A_66 = tpu.matmul %add3A_28, %get3A_65, %dot_general3A {dimension_numbers = #tpu.dot_dimension_numbers<[1], [0], [0], [1], [0, 0, 1, 1], [], []>, precision = #tpu.contract_precision<fp32>, transpose_lhs_hint = false} : vector<1024x416xf32>, vector<416x256xf32>, vector<1024x256xf32> -> vector<1024x256xf32>
    %get3A_67 = arith.constant 416 : index
    %get3A_68 = arith.constant 0 : index
    %get3A_69 = vector.load %arg9[%get3A_67, %get3A_68] : memref<429x256xf32, #tpu.memory_space<vmem>>, vector<13x256xf32>
    %dot_general3A_70 = arith.constant dense<0.000000e+00> : vector<1024x256xf32>
    %dot_general3A_71 = tpu.matmul %add3A_62, %get3A_69, %dot_general3A_70 {dimension_numbers = #tpu.dot_dimension_numbers<[1], [0], [0], [1], [0, 0, 1, 1], [], []>, precision = #tpu.contract_precision<fp32>, transpose_lhs_hint = false} : vector<1024x13xf32>, vector<13x256xf32>, vector<1024x256xf32> -> vector<1024x256xf32>
    %add3A_72 = arith.addf %dot_general3A_66, %dot_general3A_71 : vector<1024x256xf32>
    %get3A_73 = arith.constant 0 : index
    %get3A_74 = arith.constant 0 : index
    %get3A_75 = vector.load %arg10[%get3A_73, %get3A_74] : memref<1x256xf32, #tpu.memory_space<vmem>>, vector<1x256xf32>
    %add3A_76 = vector.broadcast %get3A_75 : vector<1x256xf32> to vector<1024x256xf32>
    %add3A_77 = arith.addf %add3A_72, %add3A_76 : vector<1024x256xf32>
    %swap3A = arith.constant 0 : index
    %swap3A_78 = arith.constant 0 : index
    %swap3A_79 = vector.load %arg11[%swap3A, %swap3A_78] : memref<1024x256xf32, #tpu.memory_space<vmem>>, vector<1024x256xf32>
    tpu.vector_store %arg11[%swap3A, %swap3A_78], %add3A_77 {strides = array<i32>} : memref<1024x256xf32, #tpu.memory_space<vmem>>, vector<1024x256xf32>,
    %eq3A = arith.constant 0 : i32
    %eq3A_80 = arith.cmpi eq, %arg0, %eq3A : i32
    %convert_element_type3A = arith.extui %eq3A_80 : i1 to i32
    %cond3A = arith.constant 0 : i32
    %cond3A_81 = arith.cmpi ne, %convert_element_type3A, %cond3A : i32
    scf.if %cond3A_81 {
      %broadcast_in_dim3A_94 = arith.constant 0.000000e+00 : f32
      %broadcast_in_dim3A_95 = vector.broadcast %broadcast_in_dim3A_94 : f32 to vector<8x256xf32>
      %swap3A_96 = arith.constant 0 : index
      %swap3A_97 = arith.constant 0 : index
      %swap3A_98 = vector.load %arg12[%swap3A_96, %swap3A_97] : memref<8x256xf32, #tpu.memory_space<vmem>>, vector<8x256xf32>
      tpu.vector_store %arg12[%swap3A_96, %swap3A_97], %broadcast_in_dim3A_95 {strides = array<i32>} : memref<8x256xf32, #tpu.memory_space<vmem>>, vector<8x256xf32>,
    } else {
    }
    %get3A_82 = arith.constant 0 : index
    %get3A_83 = arith.constant 0 : index
    %get3A_84 = vector.load %arg12[%get3A_82, %get3A_83] : memref<8x256xf32, #tpu.memory_space<vmem>>, vector<2x256xf32>
    %reduce_sum3A = arith.constant dense<0.000000e+00> : vector<256xf32>
    %reduce_sum3A_85 = vector.multi_reduction <add>, %add3A_77, %reduce_sum3A [0] : vector<1024x256xf32> to vector<256xf32>
    %broadcast_in_dim3A = vector.shape_cast %reduce_sum3A_85 : vector<256xf32> to vector<1x256xf32>
    %mul3A_86 = arith.mulf %add3A_77, %add3A_77 : vector<1024x256xf32>
    %reduce_sum3A_87 = arith.constant dense<0.000000e+00> : vector<256xf32>
    %reduce_sum3A_88 = vector.multi_reduction <add>, %mul3A_86, %reduce_sum3A_87 [0] : vector<1024x256xf32> to vector<256xf32>
    %broadcast_in_dim3A_89 = vector.shape_cast %reduce_sum3A_88 : vector<256xf32> to vector<1x256xf32>
    %concatenate3A = tpu.concatenate %broadcast_in_dim3A, %broadcast_in_dim3A_89 in 0 : vector<1x256xf32>, vector<1x256xf32> -> vector<2x256xf32>
    %add3A_90 = arith.addf %get3A_84, %concatenate3A : vector<2x256xf32>
    %swap3A_91 = arith.constant 0 : index
    %swap3A_92 = arith.constant 0 : index
    %swap3A_93 = vector.load %arg12[%swap3A_91, %swap3A_92] : memref<8x256xf32, #tpu.memory_space<vmem>>, vector<2x256xf32>
    tpu.vector_store %arg12[%swap3A_91, %swap3A_92], %add3A_90 {strides = array<i32>} : memref<8x256xf32, #tpu.memory_space<vmem>>, vector<2x256xf32>,
    return
  }
  func.func @transform_0(%arg0: i32) -> (i32, i32) {
    %c0_i32 = arith.constant 0 : i32
    %c0_i32_0 = arith.constant 0 : i32
    return %arg0, %c0_i32 : i32, i32
  }
  func.func @transform_1(%arg0: i32) -> (i32, i32) {
    %c0_i32 = arith.constant 0 : i32
    %c0_i32_0 = arith.constant 0 : i32
    return %arg0, %c0_i32 : i32, i32
  }
  func.func @transform_2(%arg0: i32) -> (i32, i32) {
    %c0_i32 = arith.constant 0 : i32
    %c0_i32_0 = arith.constant 0 : i32
    %c0_i32_1 = arith.constant 0 : i32
    return %c0_i32, %c0_i32_0 : i32, i32
  }
  func.func @transform_3(%arg0: i32) -> (i32, i32) {
    %c0_i32 = arith.constant 0 : i32
    %c0_i32_0 = arith.constant 0 : i32
    %c0_i32_1 = arith.constant 0 : i32
    return %c0_i32, %c0_i32_0 : i32, i32
  }
  func.func @transform_4(%arg0: i32) -> (i32, i32) {
    %c0_i32 = arith.constant 0 : i32
    %c0_i32_0 = arith.constant 0 : i32
    %c0_i32_1 = arith.constant 0 : i32
    return %c0_i32, %c0_i32_0 : i32, i32
  }
  func.func @transform_5(%arg0: i32) -> (i32, i32) {
    %c0_i32 = arith.constant 0 : i32
    %c0_i32_0 = arith.constant 0 : i32
    %c0_i32_1 = arith.constant 0 : i32
    return %c0_i32, %c0_i32_0 : i32, i32
  }
  func.func @transform_6(%arg0: i32) -> (i32, i32) {
    %c0_i32 = arith.constant 0 : i32
    %c0_i32_0 = arith.constant 0 : i32
    %c0_i32_1 = arith.constant 0 : i32
    return %c0_i32, %c0_i32_0 : i32, i32
  }
  func.func @transform_7(%arg0: i32) -> (i32, i32) {
    %c0_i32 = arith.constant 0 : i32
    %c0_i32_0 = arith.constant 0 : i32
    %c0_i32_1 = arith.constant 0 : i32
    return %c0_i32, %c0_i32_0 : i32, i32
  }
  func.func @transform_8(%arg0: i32) -> (i32, i32) {
    %c0_i32 = arith.constant 0 : i32
    %c0_i32_0 = arith.constant 0 : i32
    %c0_i32_1 = arith.constant 0 : i32
    return %c0_i32, %c0_i32_0 : i32, i32
  }
  func.func @transform_9(%arg0: i32) -> (i32, i32) {
    %c0_i32 = arith.constant 0 : i32
    %c0_i32_0 = arith.constant 0 : i32
    %c0_i32_1 = arith.constant 0 : i32
    return %c0_i32, %c0_i32_0 : i32, i32
  }
  func.func @transform_10(%arg0: i32) -> (i32, i32) {
    %c0_i32 = arith.constant 0 : i32
    %c0_i32_0 = arith.constant 0 : i32
    return %arg0, %c0_i32 : i32, i32
  }
  func.func @transform_11(%arg0: i32) -> (i32, i32) {
    %c0_i32 = arith.constant 0 : i32
    %c0_i32_0 = arith.constant 0 : i32
    %c0_i32_1 = arith.constant 0 : i32
    return %c0_i32, %c0_i32_0 : i32, i32
  }
}

module attributes {stable_mosaic.version = 14 : i64} {
  func.func @_pass_c(%arg0: i32, %arg1: memref<1024x256xf32, #tpu.memory_space<vmem>>, %arg2: memref<8x256xf32, #tpu.memory_space<vmem>>, %arg3: memref<1x256xf32, #tpu.memory_space<vmem>>, %arg4: memref<1x256xf32, #tpu.memory_space<vmem>>, %arg5: memref<256x128xf32, #tpu.memory_space<vmem>>, %arg6: memref<1x128xf32, #tpu.memory_space<vmem>>, %arg7: memref<1024x128xf32, #tpu.memory_space<vmem>>, %arg8: memref<8x128xf32, #tpu.memory_space<vmem>>) attributes {dimension_semantics = [#tpu.dimension_semantics<arbitrary>], iteration_bounds = array<i64: 16>, scalar_prefetch = 0 : i64, scratch_operands = 0 : i64, tpu.core_type = #tpu.core_type<tc>, window_params = [{transform_indices = @transform_0, window_bounds = array<i64: 1024, 256>}, {pipeline_mode = #tpu.pipeline_mode<synchronous>, transform_indices = @transform_1, window_bounds = array<i64: 8, 256>}, {pipeline_mode = #tpu.pipeline_mode<synchronous>, transform_indices = @transform_2, window_bounds = array<i64: 1, 256>}, {pipeline_mode = #tpu.pipeline_mode<synchronous>, transform_indices = @transform_3, window_bounds = array<i64: 1, 256>}, {pipeline_mode = #tpu.pipeline_mode<synchronous>, transform_indices = @transform_4, window_bounds = array<i64: 256, 128>}, {pipeline_mode = #tpu.pipeline_mode<synchronous>, transform_indices = @transform_5, window_bounds = array<i64: 1, 128>}, {transform_indices = @transform_6, window_bounds = array<i64: 1024, 128>}, {pipeline_mode = #tpu.pipeline_mode<synchronous>, transform_indices = @transform_7, window_bounds = array<i64: 8, 128>}]} {
    %get3A = arith.constant 0 : index
    %get3A_0 = arith.constant 0 : index
    %get3A_1 = vector.load %arg1[%get3A, %get3A_0] : memref<1024x256xf32, #tpu.memory_space<vmem>>, vector<1024x256xf32>
    %get3A_2 = arith.constant 0 : index
    %get3A_3 = arith.constant 0 : index
    %get3A_4 = vector.load %arg2[%get3A_2, %get3A_3] : memref<8x256xf32, #tpu.memory_space<vmem>>, vector<1x256xf32>
    %mul3A = arith.constant 6.10351563E-5 : f32
    %mul3A_5 = vector.broadcast %mul3A : f32 to vector<1x256xf32>
    %mul3A_6 = arith.mulf %get3A_4, %mul3A_5 : vector<1x256xf32>
    %get3A_7 = arith.constant 1 : index
    %get3A_8 = arith.constant 0 : index
    %get3A_9 = vector.load %arg2[%get3A_7, %get3A_8] : memref<8x256xf32, #tpu.memory_space<vmem>>, vector<1x256xf32>
    %mul3A_10 = arith.constant 6.10351563E-5 : f32
    %mul3A_11 = vector.broadcast %mul3A_10 : f32 to vector<1x256xf32>
    %mul3A_12 = arith.mulf %get3A_9, %mul3A_11 : vector<1x256xf32>
    %mul3A_13 = arith.mulf %mul3A_6, %mul3A_6 : vector<1x256xf32>
    %sub3A = arith.subf %mul3A_12, %mul3A_13 : vector<1x256xf32>
    %add3A = arith.constant 9.99999974E-6 : f32
    %add3A_14 = vector.broadcast %add3A : f32 to vector<1x256xf32>
    %add3A_15 = arith.addf %sub3A, %add3A_14 : vector<1x256xf32>
    %rsqrt3A = math.rsqrt %add3A_15 : vector<1x256xf32>
    %get3A_16 = arith.constant 0 : index
    %get3A_17 = arith.constant 0 : index
    %get3A_18 = vector.load %arg3[%get3A_16, %get3A_17] : memref<1x256xf32, #tpu.memory_space<vmem>>, vector<1x256xf32>
    %mul3A_19 = arith.mulf %rsqrt3A, %get3A_18 : vector<1x256xf32>
    %sub3A_20 = vector.broadcast %mul3A_6 : vector<1x256xf32> to vector<1024x256xf32>
    %sub3A_21 = arith.subf %get3A_1, %sub3A_20 : vector<1024x256xf32>
    %mul3A_22 = vector.broadcast %mul3A_19 : vector<1x256xf32> to vector<1024x256xf32>
    %mul3A_23 = arith.mulf %sub3A_21, %mul3A_22 : vector<1024x256xf32>
    %get3A_24 = arith.constant 0 : index
    %get3A_25 = arith.constant 0 : index
    %get3A_26 = vector.load %arg4[%get3A_24, %get3A_25] : memref<1x256xf32, #tpu.memory_space<vmem>>, vector<1x256xf32>
    %add3A_27 = vector.broadcast %get3A_26 : vector<1x256xf32> to vector<1024x256xf32>
    %add3A_28 = arith.addf %mul3A_23, %add3A_27 : vector<1024x256xf32>
    %get3A_29 = arith.constant 0 : index
    %get3A_30 = arith.constant 0 : index
    %get3A_31 = vector.load %arg5[%get3A_29, %get3A_30] : memref<256x128xf32, #tpu.memory_space<vmem>>, vector<256x128xf32>
    %dot_general3A = arith.constant dense<0.000000e+00> : vector<1024x128xf32>
    %dot_general3A_32 = tpu.matmul %add3A_28, %get3A_31, %dot_general3A {dimension_numbers = #tpu.dot_dimension_numbers<[1], [0], [0], [1], [0, 0, 1, 1], [], []>, precision = #tpu.contract_precision<fp32>, transpose_lhs_hint = false} : vector<1024x256xf32>, vector<256x128xf32>, vector<1024x128xf32> -> vector<1024x128xf32>
    %get3A_33 = arith.constant 0 : index
    %get3A_34 = arith.constant 0 : index
    %get3A_35 = vector.load %arg6[%get3A_33, %get3A_34] : memref<1x128xf32, #tpu.memory_space<vmem>>, vector<1x128xf32>
    %add3A_36 = vector.broadcast %get3A_35 : vector<1x128xf32> to vector<1024x128xf32>
    %add3A_37 = arith.addf %dot_general3A_32, %add3A_36 : vector<1024x128xf32>
    %swap3A = arith.constant 0 : index
    %swap3A_38 = arith.constant 0 : index
    %swap3A_39 = vector.load %arg7[%swap3A, %swap3A_38] : memref<1024x128xf32, #tpu.memory_space<vmem>>, vector<1024x128xf32>
    tpu.vector_store %arg7[%swap3A, %swap3A_38], %add3A_37 {strides = array<i32>} : memref<1024x128xf32, #tpu.memory_space<vmem>>, vector<1024x128xf32>,
    %eq3A = arith.constant 0 : i32
    %eq3A_40 = arith.cmpi eq, %arg0, %eq3A : i32
    %convert_element_type3A = arith.extui %eq3A_40 : i1 to i32
    %cond3A = arith.constant 0 : i32
    %cond3A_41 = arith.cmpi ne, %convert_element_type3A, %cond3A : i32
    scf.if %cond3A_41 {
      %broadcast_in_dim3A_54 = arith.constant 0.000000e+00 : f32
      %broadcast_in_dim3A_55 = vector.broadcast %broadcast_in_dim3A_54 : f32 to vector<8x128xf32>
      %swap3A_56 = arith.constant 0 : index
      %swap3A_57 = arith.constant 0 : index
      %swap3A_58 = vector.load %arg8[%swap3A_56, %swap3A_57] : memref<8x128xf32, #tpu.memory_space<vmem>>, vector<8x128xf32>
      tpu.vector_store %arg8[%swap3A_56, %swap3A_57], %broadcast_in_dim3A_55 {strides = array<i32>} : memref<8x128xf32, #tpu.memory_space<vmem>>, vector<8x128xf32>,
    } else {
    }
    %get3A_42 = arith.constant 0 : index
    %get3A_43 = arith.constant 0 : index
    %get3A_44 = vector.load %arg8[%get3A_42, %get3A_43] : memref<8x128xf32, #tpu.memory_space<vmem>>, vector<2x128xf32>
    %reduce_sum3A = arith.constant dense<0.000000e+00> : vector<128xf32>
    %reduce_sum3A_45 = vector.multi_reduction <add>, %add3A_37, %reduce_sum3A [0] : vector<1024x128xf32> to vector<128xf32>
    %broadcast_in_dim3A = vector.shape_cast %reduce_sum3A_45 : vector<128xf32> to vector<1x128xf32>
    %mul3A_46 = arith.mulf %add3A_37, %add3A_37 : vector<1024x128xf32>
    %reduce_sum3A_47 = arith.constant dense<0.000000e+00> : vector<128xf32>
    %reduce_sum3A_48 = vector.multi_reduction <add>, %mul3A_46, %reduce_sum3A_47 [0] : vector<1024x128xf32> to vector<128xf32>
    %broadcast_in_dim3A_49 = vector.shape_cast %reduce_sum3A_48 : vector<128xf32> to vector<1x128xf32>
    %concatenate3A = tpu.concatenate %broadcast_in_dim3A, %broadcast_in_dim3A_49 in 0 : vector<1x128xf32>, vector<1x128xf32> -> vector<2x128xf32>
    %add3A_50 = arith.addf %get3A_44, %concatenate3A : vector<2x128xf32>
    %swap3A_51 = arith.constant 0 : index
    %swap3A_52 = arith.constant 0 : index
    %swap3A_53 = vector.load %arg8[%swap3A_51, %swap3A_52] : memref<8x128xf32, #tpu.memory_space<vmem>>, vector<2x128xf32>
    tpu.vector_store %arg8[%swap3A_51, %swap3A_52], %add3A_50 {strides = array<i32>} : memref<8x128xf32, #tpu.memory_space<vmem>>, vector<2x128xf32>,
    return
  }
  func.func @transform_0(%arg0: i32) -> (i32, i32) {
    %c0_i32 = arith.constant 0 : i32
    %c0_i32_0 = arith.constant 0 : i32
    return %arg0, %c0_i32 : i32, i32
  }
  func.func @transform_1(%arg0: i32) -> (i32, i32) {
    %c0_i32 = arith.constant 0 : i32
    %c0_i32_0 = arith.constant 0 : i32
    %c0_i32_1 = arith.constant 0 : i32
    return %c0_i32, %c0_i32_0 : i32, i32
  }
  func.func @transform_2(%arg0: i32) -> (i32, i32) {
    %c0_i32 = arith.constant 0 : i32
    %c0_i32_0 = arith.constant 0 : i32
    %c0_i32_1 = arith.constant 0 : i32
    return %c0_i32, %c0_i32_0 : i32, i32
  }
  func.func @transform_3(%arg0: i32) -> (i32, i32) {
    %c0_i32 = arith.constant 0 : i32
    %c0_i32_0 = arith.constant 0 : i32
    %c0_i32_1 = arith.constant 0 : i32
    return %c0_i32, %c0_i32_0 : i32, i32
  }
  func.func @transform_4(%arg0: i32) -> (i32, i32) {
    %c0_i32 = arith.constant 0 : i32
    %c0_i32_0 = arith.constant 0 : i32
    %c0_i32_1 = arith.constant 0 : i32
    return %c0_i32, %c0_i32_0 : i32, i32
  }
  func.func @transform_5(%arg0: i32) -> (i32, i32) {
    %c0_i32 = arith.constant 0 : i32
    %c0_i32_0 = arith.constant 0 : i32
    %c0_i32_1 = arith.constant 0 : i32
    return %c0_i32, %c0_i32_0 : i32, i32
  }
  func.func @transform_6(%arg0: i32) -> (i32, i32) {
    %c0_i32 = arith.constant 0 : i32
    %c0_i32_0 = arith.constant 0 : i32
    return %arg0, %c0_i32 : i32, i32
  }
  func.func @transform_7(%arg0: i32) -> (i32, i32) {
    %c0_i32 = arith.constant 0 : i32
    %c0_i32_0 = arith.constant 0 : i32
    %c0_i32_1 = arith.constant 0 : i32
    return %c0_i32, %c0_i32_0 : i32, i32
  }
}

module attributes {stable_mosaic.version = 14 : i64} {
  func.func @_pass_d(%arg0: i32, %arg1: memref<1024x128xf32, #tpu.memory_space<vmem>>, %arg2: memref<1024x2xf32, #tpu.memory_space<vmem>>, %arg3: memref<8x128xf32, #tpu.memory_space<vmem>>, %arg4: memref<1x128xf32, #tpu.memory_space<vmem>>, %arg5: memref<1x128xf32, #tpu.memory_space<vmem>>, %arg6: memref<1x429xf32, #tpu.memory_space<vmem>>, %arg7: memref<1x128xf32, #tpu.memory_space<vmem>>, %arg8: memref<1x3xf32, #tpu.memory_space<vmem>>, %arg9: memref<1x1xf32, #tpu.memory_space<vmem>>, %arg10: memref<1024x1xf32, #tpu.memory_space<vmem>>) attributes {dimension_semantics = [#tpu.dimension_semantics<arbitrary>], iteration_bounds = array<i64: 16>, scalar_prefetch = 0 : i64, scratch_operands = 0 : i64, tpu.core_type = #tpu.core_type<tc>, window_params = [{transform_indices = @transform_0, window_bounds = array<i64: 1024, 128>}, {transform_indices = @transform_1, window_bounds = array<i64: 1024, 2>}, {pipeline_mode = #tpu.pipeline_mode<synchronous>, transform_indices = @transform_2, window_bounds = array<i64: 8, 128>}, {pipeline_mode = #tpu.pipeline_mode<synchronous>, transform_indices = @transform_3, window_bounds = array<i64: 1, 128>}, {pipeline_mode = #tpu.pipeline_mode<synchronous>, transform_indices = @transform_4, window_bounds = array<i64: 1, 128>}, {pipeline_mode = #tpu.pipeline_mode<synchronous>, transform_indices = @transform_5, window_bounds = array<i64: 1, 429>}, {pipeline_mode = #tpu.pipeline_mode<synchronous>, transform_indices = @transform_6, window_bounds = array<i64: 1, 128>}, {pipeline_mode = #tpu.pipeline_mode<synchronous>, transform_indices = @transform_7, window_bounds = array<i64: 1, 3>}, {pipeline_mode = #tpu.pipeline_mode<synchronous>, transform_indices = @transform_8, window_bounds = array<i64: 1, 1>}, {transform_indices = @transform_9, window_bounds = array<i64: 1024, 1>}]} {
    %get3A = arith.constant 0 : index
    %get3A_0 = arith.constant 0 : index
    %get3A_1 = vector.load %arg1[%get3A, %get3A_0] : memref<1024x128xf32, #tpu.memory_space<vmem>>, vector<1024x128xf32>
    %get3A_2 = arith.constant 0 : index
    %get3A_3 = arith.constant 0 : index
    %get3A_4 = vector.load %arg3[%get3A_2, %get3A_3] : memref<8x128xf32, #tpu.memory_space<vmem>>, vector<1x128xf32>
    %mul3A = arith.constant 6.10351563E-5 : f32
    %mul3A_5 = vector.broadcast %mul3A : f32 to vector<1x128xf32>
    %mul3A_6 = arith.mulf %get3A_4, %mul3A_5 : vector<1x128xf32>
    %get3A_7 = arith.constant 1 : index
    %get3A_8 = arith.constant 0 : index
    %get3A_9 = vector.load %arg3[%get3A_7, %get3A_8] : memref<8x128xf32, #tpu.memory_space<vmem>>, vector<1x128xf32>
    %mul3A_10 = arith.constant 6.10351563E-5 : f32
    %mul3A_11 = vector.broadcast %mul3A_10 : f32 to vector<1x128xf32>
    %mul3A_12 = arith.mulf %get3A_9, %mul3A_11 : vector<1x128xf32>
    %mul3A_13 = arith.mulf %mul3A_6, %mul3A_6 : vector<1x128xf32>
    %sub3A = arith.subf %mul3A_12, %mul3A_13 : vector<1x128xf32>
    %add3A = arith.constant 9.99999974E-6 : f32
    %add3A_14 = vector.broadcast %add3A : f32 to vector<1x128xf32>
    %add3A_15 = arith.addf %sub3A, %add3A_14 : vector<1x128xf32>
    %rsqrt3A = math.rsqrt %add3A_15 : vector<1x128xf32>
    %get3A_16 = arith.constant 0 : index
    %get3A_17 = arith.constant 0 : index
    %get3A_18 = vector.load %arg4[%get3A_16, %get3A_17] : memref<1x128xf32, #tpu.memory_space<vmem>>, vector<1x128xf32>
    %mul3A_19 = arith.mulf %rsqrt3A, %get3A_18 : vector<1x128xf32>
    %sub3A_20 = vector.broadcast %mul3A_6 : vector<1x128xf32> to vector<1024x128xf32>
    %sub3A_21 = arith.subf %get3A_1, %sub3A_20 : vector<1024x128xf32>
    %mul3A_22 = vector.broadcast %mul3A_19 : vector<1x128xf32> to vector<1024x128xf32>
    %mul3A_23 = arith.mulf %sub3A_21, %mul3A_22 : vector<1024x128xf32>
    %get3A_24 = arith.constant 0 : index
    %get3A_25 = arith.constant 0 : index
    %get3A_26 = vector.load %arg5[%get3A_24, %get3A_25] : memref<1x128xf32, #tpu.memory_space<vmem>>, vector<1x128xf32>
    %add3A_27 = vector.broadcast %get3A_26 : vector<1x128xf32> to vector<1024x128xf32>
    %add3A_28 = arith.addf %mul3A_23, %add3A_27 : vector<1024x128xf32>
    %get3A_29 = arith.constant 0 : index
    %get3A_30 = arith.constant 0 : index
    %get3A_31 = vector.load %arg7[%get3A_29, %get3A_30] : memref<1x128xf32, #tpu.memory_space<vmem>>, vector<1x128xf32>
    %mul3A_32 = vector.broadcast %get3A_31 : vector<1x128xf32> to vector<1024x128xf32>
    %mul3A_33 = arith.mulf %add3A_28, %mul3A_32 : vector<1024x128xf32>
    %reduce_sum3A = arith.constant dense<0.000000e+00> : vector<1024xf32>
    %reduce_sum3A_34 = vector.multi_reduction <add>, %mul3A_33, %reduce_sum3A [1] : vector<1024x128xf32> to vector<1024xf32>
    %broadcast_in_dim3A = vector.shape_cast %reduce_sum3A_34 : vector<1024xf32> to vector<1024x1xf32>
    %get3A_35 = arith.constant 0 : index
    %get3A_36 = arith.constant 0 : index
    %get3A_37 = vector.load %arg6[%get3A_35, %get3A_36] : memref<1x429xf32, #tpu.memory_space<vmem>>, vector<1x429xf32>
    %reduce_sum3A_38 = arith.constant dense<0.000000e+00> : vector<1xf32>
    %reduce_sum3A_39 = vector.multi_reduction <add>, %get3A_37, %reduce_sum3A_38 [1] : vector<1x429xf32> to vector<1xf32>
    %broadcast_in_dim3A_40 = vector.shape_cast %reduce_sum3A_39 : vector<1xf32> to vector<1x1xf32>
    %get3A_41 = arith.constant 0 : index
    %get3A_42 = arith.constant 0 : index
    %get3A_43 = vector.load %arg2[%get3A_41, %get3A_42] : memref<1024x2xf32, #tpu.memory_space<vmem>>, vector<1024x1xf32>
    %get3A_44 = arith.constant 0 : index
    %get3A_45 = arith.constant 1 : index
    %get3A_46 = vector.load %arg2[%get3A_44, %get3A_45] : memref<1024x2xf32, #tpu.memory_space<vmem>>, vector<1024x1xf32>
    %get3A_47 = arith.constant 0 : index
    %get3A_48 = arith.constant 2 : index
    %get3A_49 = vector.load %arg8[%get3A_47, %get3A_48] : memref<1x3xf32, #tpu.memory_space<vmem>>, vector<1x1xf32>
    %add3A_50 = arith.constant 1.000000e+00 : f32
    %add3A_51 = vector.broadcast %add3A_50 : f32 to vector<1024x1xf32>
    %add3A_52 = arith.addf %add3A_51, %get3A_43 : vector<1024x1xf32>
    %mul3A_53 = arith.mulf %add3A_52, %get3A_46 : vector<1024x1xf32>
    %mul3A_54 = arith.mulf %get3A_49, %broadcast_in_dim3A_40 : vector<1x1xf32>
    %add3A_55 = vector.broadcast %mul3A_54 : vector<1x1xf32> to vector<1024x1xf32>
    %add3A_56 = arith.addf %mul3A_53, %add3A_55 : vector<1024x1xf32>
    %add3A_57 = arith.addf %add3A_56, %broadcast_in_dim3A : vector<1024x1xf32>
    %get3A_58 = arith.constant 0 : index
    %get3A_59 = arith.constant 0 : index
    %get3A_60 = vector.load %arg9[%get3A_58, %get3A_59] : memref<1x1xf32, #tpu.memory_space<vmem>>, vector<1x1xf32>
    %add3A_61 = vector.broadcast %get3A_60 : vector<1x1xf32> to vector<1024x1xf32>
    %add3A_62 = arith.addf %add3A_57, %add3A_61 : vector<1024x1xf32>
    %logistic3A = arith.negf %add3A_62 : vector<1024x1xf32>
    %logistic3A_63 = math.exp %logistic3A : vector<1024x1xf32>
    %logistic3A_64 = arith.constant 1.000000e+00 : f32
    %logistic3A_65 = vector.broadcast %logistic3A_64 : f32 to vector<1024x1xf32>
    %logistic3A_66 = arith.addf %logistic3A_65, %logistic3A_63 : vector<1024x1xf32>
    %logistic3A_67 = arith.divf %logistic3A_65, %logistic3A_66 : vector<1024x1xf32>
    %swap3A = arith.constant 0 : index
    %swap3A_68 = arith.constant 0 : index
    %swap3A_69 = vector.load %arg10[%swap3A, %swap3A_68] : memref<1024x1xf32, #tpu.memory_space<vmem>>, vector<1024x1xf32>
    tpu.vector_store %arg10[%swap3A, %swap3A_68], %logistic3A_67 {strides = array<i32>} : memref<1024x1xf32, #tpu.memory_space<vmem>>, vector<1024x1xf32>,
    return
  }
  func.func @transform_0(%arg0: i32) -> (i32, i32) {
    %c0_i32 = arith.constant 0 : i32
    %c0_i32_0 = arith.constant 0 : i32
    return %arg0, %c0_i32 : i32, i32
  }
  func.func @transform_1(%arg0: i32) -> (i32, i32) {
    %c0_i32 = arith.constant 0 : i32
    %c0_i32_0 = arith.constant 0 : i32
    return %arg0, %c0_i32 : i32, i32
  }
  func.func @transform_2(%arg0: i32) -> (i32, i32) {
    %c0_i32 = arith.constant 0 : i32
    %c0_i32_0 = arith.constant 0 : i32
    %c0_i32_1 = arith.constant 0 : i32
    return %c0_i32, %c0_i32_0 : i32, i32
  }
  func.func @transform_3(%arg0: i32) -> (i32, i32) {
    %c0_i32 = arith.constant 0 : i32
    %c0_i32_0 = arith.constant 0 : i32
    %c0_i32_1 = arith.constant 0 : i32
    return %c0_i32, %c0_i32_0 : i32, i32
  }
  func.func @transform_4(%arg0: i32) -> (i32, i32) {
    %c0_i32 = arith.constant 0 : i32
    %c0_i32_0 = arith.constant 0 : i32
    %c0_i32_1 = arith.constant 0 : i32
    return %c0_i32, %c0_i32_0 : i32, i32
  }
  func.func @transform_5(%arg0: i32) -> (i32, i32) {
    %c0_i32 = arith.constant 0 : i32
    %c0_i32_0 = arith.constant 0 : i32
    %c0_i32_1 = arith.constant 0 : i32
    return %c0_i32, %c0_i32_0 : i32, i32
  }
  func.func @transform_6(%arg0: i32) -> (i32, i32) {
    %c0_i32 = arith.constant 0 : i32
    %c0_i32_0 = arith.constant 0 : i32
    %c0_i32_1 = arith.constant 0 : i32
    return %c0_i32, %c0_i32_0 : i32, i32
  }
  func.func @transform_7(%arg0: i32) -> (i32, i32) {
    %c0_i32 = arith.constant 0 : i32
    %c0_i32_0 = arith.constant 0 : i32
    %c0_i32_1 = arith.constant 0 : i32
    return %c0_i32, %c0_i32_0 : i32, i32
  }
  func.func @transform_8(%arg0: i32) -> (i32, i32) {
    %c0_i32 = arith.constant 0 : i32
    %c0_i32_0 = arith.constant 0 : i32
    %c0_i32_1 = arith.constant 0 : i32
    return %c0_i32, %c0_i32_0 : i32, i32
  }
  func.func @transform_9(%arg0: i32) -> (i32, i32) {
    %c0_i32 = arith.constant 0 : i32
    %c0_i32_0 = arith.constant 0 : i32
    return %arg0, %c0_i32 : i32, i32
  }
}

</mosaic_0001>

<sc_bundles>
// kernel: kernel.7.cloned.1.call-start
scs
__scs_entry_jumppad:
0x0: {  	(pc) =	sbr.rel $0x88, $3  }
0x1: {  	(tag) =	ssettag $0x0;
	lr =	simm.s32 $0x1  }
0x2: {  	[smem:$0x3F90] =	sst lr;
	_ =	strace $0xD0000000  }
0x3: {  	_ = 	snop  }
0x4: {  	_ = 	snop  }
0x5: {  	_ = 	snop  }
0x6: {  	_ = 	snop  }
0x7: {  	_ = 	snop  }
__scs_overlays_trampoline_lowered:
0x8: {  	[smem:$0x3F9F] =	sst s0  }
0x9: {  	[smem:$0x3FA0] =	sst s1  }
0xa: {  	[smem:$0x3FA1] =	sst s2  }
0xb: {  	[smem:$0x3FA2] =	sst s3  }
0xc: {  	[smem:$0x3FA3] =	sst s4  }
0xd: {  	[smem:$0x3FA4] =	sst s5  }
0xe: {  	[smem:$0x3FA5] =	sst s6  }
0xf: {  	[smem:$0x3FA6] =	sst s7  }
0x10: {  	[smem:$0x3FA7] =	sst s8  }
0x11: {  	[smem:$0x3FA8] =	sst s9;
	s0 =	simm.s32 @!p0 $0x0  }
0x12: {  	s1 =	sld [smem:$0x3F8E];
	s0 =	simm.s32 @p0 $0x1  }
0x13: {  	[smem:$0x3FA9] =	sst s0;
	s0 =	simm.s32 @!p1 $0x0  }
0x14: {  	s2 =	sld [smem:$0x3F8D];
	s0 =	simm.s32 @p1 $0x1  }
0x15: {  	[smem:$0x3FAA] =	sst s0;
	s0 =	simm.s32 @!p2 $0x0  }
0x16: {  	s3 =	sld [smem:$0x3FDB];
	s0 =	simm.s32 @p2 $0x1  }
0x17: {  	s4 =	simm.s32 $0x1BF5;
	[smem:$0x3FAC] =	sst s0  }
0x18: {  	s0 =	sld [smem:$0x3F8F];
	_ =	swait.ge [sflag:s4], $0x0  }
0x19: {  	s7 =	sld [smem:$0x3F90]  }
0x1a: {  	s8 =	sadd.s32 $0xFFFFE003, lr  }
0x1b: {  	s9 =	sadd.s32 $0xFFFFFEF7, lr;
	s5 =	simm.s32 $0xFFFFFFFF;
	p2 =	slt.u32 s8, $0xFFFFF086  }
0x1c: {  	p1 =	slt.u32 s9, $0xF7A;
	s5 =	simm.s32 @!p2 $0x0  }
0x1d: {  	s5 =	simm.s32 @p1 $0x1;
	p0 =	seq.s32 s7, s2  }
0x1e: {  	s7 =	smul.u32 @!p0 $0xF7A, s2;
	p2 =	seq.s32 @!p0 s5, $0x0  }
0x1f: {  	s9 =	smul.u32 $0xF7A, s1;
	s8 =	simm.s32 @!p0 $0x1BF5;
	p2 =	por !p2, p0  }
0x20: {  	[sflag:s8] =	ssyncset.s32 @!p0 $0xFFFFF086;
	s6 =	sadd.s32 @!p0 s3, s7;
	s7 =	simm.s32 @!p0 $0x108  }
0x21: {  	s3 =	sadd.s32 s3, s9;
	s6 =	sadd.s32 @!p0 $0x88, s6;
	s7 =	simm.s32 @p2 $0x1082  }
0x22: {  	[simem:s7], [sflag:s8] =	dma.local @!p0 [hbm:s6], $0xF7A  }
0x23: {  	s9 =	sor.u32 $0xD0000000, s2;
	s6 =	simm.s32 $0x108;
	_ =	swait.ge @!p0 [sflag:s8], $0x0  }
0x24: {  	s3 =	sadd.s32 $0x88, s3;
	s6 =	simm.s32 @!p1 $0x1082;
	[sflag:s4] =	ssyncset.s32 $0xFFFFF086  }
0x25: {  	[simem:s6], [sflag:s4] =	dma.local [hbm:s3], $0xF7A  }
0x26: {  	[smem:$0x3F90] =	sst s1;
	(tag) =	ssettag s2;
	_ =	strace s9  }
0x27: {  	s1 =	sld [smem:$0x3FA0]  }
0x28: {  	s2 =	sld [smem:$0x3FA1]  }
0x29: {  	s4 =	sld [smem:$0x3FA3]  }
0x2a: {  	p0 =	seq.s32 s5, $0x0;
	s5 =	sld [smem:$0x3FA4]  }
0x2b: {  	s6 =	sld [smem:$0x3FA5]  }
0x2c: {  	s7 =	sld [smem:$0x3FA6]  }
0x2d: {  	s3 =	simm.s32 $0x108;
	s8 =	sld [smem:$0x3FA7]  }
0x2e: {  	s3 =	simm.s32 @!p0 $0x1082;
	s9 =	sld [smem:$0x3FA8]  }
0x2f: {  	lr =	sadd.s32 s0, s3;
	s0 =	sld [smem:$0x3F9F]  }
0x30: {  	s3 =	sld [smem:$0x3FA2]  }
0x31: {  	[smem:$0x3FAB] =	sst s10  }
0x32: {  	s10 =	sld [smem:$0x3FA9];
	_ =	sdelay $0x3  }
0x33: {  	p0 =	seq.s32 s10, $0x1;
	s10 =	sld [smem:$0x3FAB];
	_ =	sdelay $0x3  }
0x34: {  	[smem:$0x3FAB] =	sst s10  }
0x35: {  	s10 =	sld [smem:$0x3FAA];
	_ =	sdelay $0x3  }
0x36: {  	p1 =	seq.s32 s10, $0x1;
	s10 =	sld [smem:$0x3FAB];
	_ =	sdelay $0x3  }
0x37: {  	[smem:$0x3FAB] =	sst s10  }
0x38: {  	s10 =	sld [smem:$0x3FAC]  }
0x39: {  	_ = 	snop;
	(pc) =	sbr.ind lr, $3  }
0x3a: {  	_ = 	snop  }
0x3b: {  	_ = 	snop  }
0x3c: {  	p2 =	seq.s32 s10, $0x1;
	s10 =	sld [smem:$0x3FAB]  }
0x3d: {  	_ =	shalt  }
0x3e: {  	_ =	shalt  }
0x3f: {  	_ =	shalt  }
0x40: {  	_ =	shalt  }
0x41: {  	_ =	shalt  }
0x42: {  	_ =	shalt  }
0x43: {  	_ =	shalt  }
0x44: {  	_ =	shalt  }
0x45: {  	_ =	shalt  }
0x46: {  	_ =	shalt  }
0x47: {  	_ =	shalt  }
0x48: {  	_ =	shalt  }
0x49: {  	_ =	shalt  }
0x4a: {  	_ =	shalt  }
0x4b: {  	_ =	shalt  }
0x4c: {  	_ =	shalt  }
0x4d: {  	_ =	shalt  }
0x4e: {  	_ =	shalt  }
0x4f: {  	_ =	shalt  }
0x50: {  	_ =	shalt  }
0x51: {  	_ =	shalt  }
0x52: {  	_ =	shalt  }
0x53: {  	_ =	shalt  }
0x54: {  	_ =	shalt  }
0x55: {  	_ =	shalt  }
0x56: {  	_ =	shalt  }
0x57: {  	_ =	shalt  }
0x58: {  	_ =	shalt  }
0x59: {  	_ =	shalt  }
0x5a: {  	_ =	shalt  }
0x5b: {  	_ =	shalt  }
0x5c: {  	_ =	shalt  }
0x5d: {  	_ =	shalt  }
0x5e: {  	_ =	shalt  }
0x5f: {  	_ =	shalt  }
0x60: {  	_ =	shalt  }
0x61: {  	_ =	shalt  }
0x62: {  	_ =	shalt  }
0x63: {  	_ =	shalt  }
0x64: {  	_ =	shalt  }
0x65: {  	_ =	shalt  }
0x66: {  	_ =	shalt  }
0x67: {  	_ =	shalt  }
0x68: {  	_ =	shalt  }
0x69: {  	_ =	shalt  }
0x6a: {  	_ =	shalt  }
0x6b: {  	_ =	shalt  }
0x6c: {  	_ =	shalt  }
0x6d: {  	_ =	shalt  }
0x6e: {  	_ =	shalt  }
0x6f: {  	_ =	shalt  }
0x70: {  	_ =	shalt  }
0x71: {  	_ =	shalt  }
0x72: {  	_ =	shalt  }
0x73: {  	_ =	shalt  }
0x74: {  	_ =	shalt  }
0x75: {  	_ =	shalt  }
0x76: {  	_ =	shalt  }
0x77: {  	_ =	shalt  }
0x78: {  	_ =	shalt  }
0x79: {  	_ =	shalt  }
0x7a: {  	_ =	shalt  }
0x7b: {  	_ =	shalt  }
0x7c: {  	_ =	shalt  }
0x7d: {  	_ =	shalt  }
0x7e: {  	_ =	shalt  }
0x7f: {  	_ =	shalt  }
0x80: {  	_ =	shalt  }
0x81: {  	_ =	shalt  }
0x82: {  	_ =	shalt  }
0x83: {  	_ =	shalt  }
0x84: {  	_ =	shalt  }
0x85: {  	_ =	shalt  }
0x86: {  	_ =	shalt  }
0x87: {  	_ =	shalt  }
.Lfunc_end0:
.L_simem_size_0:
called_computation_lowered:
.L_overlay_start_0:
0x88: {  	s2 =	sld [smem:$0x3FD9]  }
0x89: {  	s3 =	sld [smem:$0x3FFE];
	_ =	sdelay $0x1  }
0x8a: {  	s1 =	srdreg.scid  }
0x8b: {  	s0 =	sand.u32 $0x1, s1  }
0x8c: {  	s17 =	sshll.u32 s0, $0xA;
	s2 =	sadd.s32 s3, s2  }
0x8d: {  	s2 =	sadd.s32 s2, s17  }
0x8e: {  	[smem:$0x3FB7] =	sst s2  }
0x8f: {  	_ = 	snop  }
0x90: {  	s2 =	sld [smem:$0x3FD0];
	(tm) =	ssettm $0x1  }
0x91: {  	s18 =	sld [smem:$0x3FFB];
	_ =	sdelay $0x3  }
0x92: {  	_ =	strace s18  }
0x93: {  	s3 =	sld [smem:$0x3FFC];
	_ =	sdelay $0x3  }
0x94: {  	_ =	strace s3  }
0x95: {  	s3 =	sld [smem:$0x3FFD];
	_ =	sdelay $0x3  }
0x96: {  	_ =	strace s3  }
0x97: {  	_ =	strace $0x8FFFFFFF  }
0x98: {  	s19 =	sld [smem:$0x3FDB];
	_ =	sdelay $0x1  }
0x99: {  	s4 =	simm.s32 $_scs_section_size  }
0x9a: {  	s5 =	simm.s32 $_size__tile_overlayer_lowered;
	s6 =	simm.s32 $_tile_overlayer_lowered  }
0x9b: {  	s22 =	simm.s32 $0x1BFF;
	s21 =	sshll.u32 s6, $0x1;
	s3 =	sadd.s32 s4, s19  }
0x9c: {  	s7 =	simm.s32 $0x0;
	s20 =	sshll.u32 s5, $0x1;
	s5 =	sadd.s32 s21, s3  }
0x9d: {  	[timem:s7], [sflag:s22] =	dma.local [hbm:s5], s20  }
0x9e: {  	_ =	swait.ge [sflag:s22], s20  }
0x9f: {  	s4 =	ssub.s32 $0x0, s20;
	[sflag:s22] =	ssyncset.done $0x0  }
0xa0: {  	[sflag:s22] =	ssyncadd.s32 s4;
	_ =	sdelay $0x1  }
0xa1: {  	s23 =	simm.s32 $0x1B8B  }
0xa2: {  	_ =	swait.ge [sflag:s23], $0x1  }
0xa3: {  	[sflag:s23] =	ssyncset.done $0x0  }
0xa4: {  	s25 =	simm.s32 $0x1B8E;
	s24 =	sld [smem:$0x3FFE];
	[sflag:s23] =	ssyncadd.s32 $0xFFFFFFFF  }
0xa5: {  	s26 =	simm.s32 $execute0_lowered;
	[smem:$0x3FD2] =	sst s25  }
0xa6: {  	s5 =	sshll.u32 s26, $0x1;
	_ =	strace $0x80000046;
	[dreg:$0x1] =	wrdreg $0xFFFFFFFF  }
0xa7: {  	s28 =	simm.s32 $_size_execute0_lowered;
	s3 =	sadd.s32 s3, s5;
	[dreg:$0x0] =	wrdreg $0x0  }
0xa8: {  	s5 =	sshll.u32 s28, $0x1;
	[dreg:$0x2] =	wrdreg s3  }
0xa9: {  	[dreg:$0x3] =	wrdreg s5  }
0xaa: {  	[dreg:$0x4] =	wrdreg $0xC0  }
0xab: {  	_ =	task [dreg:s7], $0x5FFFF  }
0xac: {  	[dreg:$0x1] =	wrdreg $0xFFFFFFFF  }
0xad: {  	[dreg:$0x0] =	wrdreg $0x60  }
0xae: {  	[dreg:$0x2] =	wrdreg s24  }
0xaf: {  	[dreg:$0x3] =	wrdreg s2  }
0xb0: {  	[dreg:$0x4] =	wrdreg $0x9  }
0xb1: {  	_ =	task.clear_ibuf [dreg:s7], $0x5FFFF;
	_ =	strace $0x90000046  }
0xb2: {  	s29 =	simm.s32 $0x9;
	_ =	strace $0x80000048  }
0xb3: {  	_ =	swait.ge [sflag:s29], $0x1  }
0xb4: {  	[sflag:s29] =	ssyncadd.s32 $0xFFFFFFFF  }
0xb5: {  	_ =	strace $0x90000048  }
0xb6: {  	_ =	sfence  }
0xb7: {  	s30 =	sld [smem:$0x0];
	_ =	sdelay $0x2  }
0xb8: {  	s31 =	sshll.u32 s1, $0xD;
	s1 =	sshrl.u32 s1, $0x2  }
0xb9: {  	s3 =	sand.u32 $0x4000, s31;
	s1 =	sadd.s32 s1, s30  }
0xba: {  	s0 =	sor.u32 s3, s0;
	s1 =	sshll.u32 s1, $0x11  }
0xbb: {  	s0 =	sor.u32 s1, s0  }
0xbc: {  	s0 =	sadd.s32 $0x8F2B, s0  }
0xbd: {  	[sflag:s0] =	ssyncadd.remote.s32 $0x1  }
0xbe: {  	_ =	sfence.sel $0xFFFF  }
0xbf: {  	[dreg:$0x0] =	wrdreg $0xFFFFFFFF;
	(pc) =	sbr.abs _section_cstart, $3  }
0xc0: {  	[dreg:$0x1] =	wrdreg $0xFFFFFFFF  }
0xc1: {  	_ =	task.clear_ibuf [dreg:s7], $0x2FFFF;
	_ =	strace $0x9FFFFFFF  }
0xc2: {  	(tm) =	ssettm $0x7FFFFFFF  }
0xc3: {  	_ =	shalt  }
tec
execute0_lowered:
.L_overlay_start_1:
0x0: {  	(tag) =	ssettag $0x1  }
0x1: {  	s4 =	rddreg [dreg:$0x0]  }
0x2: {  	s5 =	rddreg [dreg:$0x1]  }
0x3: {  	s0 =	rddreg [dreg:$0x2]  }
0x4: {  	s2 =	simm.s32 $0x0;
	s3 =	srdreg.scid;
	s1 =	stileid.u32  }
0x5: {  	s12 =	simm.s32 $0x10;
	s13 =	simm.s32 $0x1A0;
	s14 =	simm.s32 $0x2  }
0x6: {  	s15 =	simm.s32 $0x0;
	[smem:$0x7FF] =	sst s2;
	s6 =	sand.u32 $0x1, s3  }
0x7: {  	s3 =	sadd.s32 $0x27AEE00, s4;
	s8 =	smul.u32 $0x68000, s1;
	s9 =	sshll.u32 s1, $0xA  }
0x8: {  	s4 =	sadd.s32 $0x2A00, s4;
	_ =	strace $0x80000047;
	s7 =	ssub.s32 $0x2, s6  }
0x9: {  	s10 =	sshll.u32 s6, $0x9;
	s6 =	smul.u32 $0x34000, s6;
	s11 =	sshrl.u32 s7, $0x1  }
0xa: {  	s9 =	sor.u32 s10, s9;
	s10 =	simm.s32 $0xA00;
	s7 =	ssub.s32 s7, s11  }
0xb: {  	s9 =	sshrl.u32 s9, $0x3;
	s8 =	sadd.s32 s6, s8;
	s11 =	simm.s32 $0x1  }
0xc: {  	s5 =	sadd.s32 s5, s9;
	s6 =	smax.u32 s7, $0x1;
	[dreg:$0x3] =	wrdreg s8  }
0xd: {  	s7 =	simm.s32 $0x3;
	s8 =	simm.s32 $0x80;
	s9 =	simm.s32 $0x200  }
.LBB2_1:
0xe: {  	[tilespmem:s2], [sflag:$0x3] =	stream.linear.gather [hbm4b:s5+s2], $0x200, $0x38;
	[tilespmem:$0x1200] =	vst v63  }
0xf: {  	s16 =	smulhi.u32 $0x4EC4EC4F, s2  }
0x10: {  	s18 =	smul.u32 $0x4F, s2  }
0x11: {  	s20 =	smulhi.u32 $0x4EC4EC4F, s14;
	_ =	swait.ge [sflag:s7], $0x200  }
0x12: {  	p0 =	por $0x0, $0x0;
	[sflag:s7] =	ssyncset.done $0x0;
	s16 =	sshrl.u32 s16, $0x2  }
0x13: {  	s21 =	rddreg [dreg:$0x3];
	[sflag:s7] =	ssyncadd.s32 $0xFFFFFE00;
	s19 =	smul.u32 $0x27AC400, s16  }
0x14: {  	[tilespmem:s9], [sflag:$0x1] =	stream.indirect.gather [hbm4b:s3+s8], $0x10, s2, s8, $0xb8;
	[tilespmem:$0x1200] =	vst v63  }
0x15: {  	s18 =	sshrl.u32 s18, $0x3;
	s16 =	smul.u32 $0xCE60, s16;
	s19 =	ssub.s32 $0x186A00, s19  }
0x16: {  	s20 =	sshrl.u32 s20, $0x3;
	s18 =	sand.u32 $0x1F80, s18;
	s19 =	sshrl.u32 s19, $0x3  }
0x17: {  	s20 =	smul.u32 $0x27AC400, s20;
	s16 =	sadd.s32 s16, s21;
	s19 =	sadd.s32 s3, s19  }
0x18: {  	[tilespmem:s10], [sflag:$0x2] =	stream.indirect.gather [hbm4b:s19+s8], $0x10, s18, s8, $0xb8;
	[tilespmem:$0x1200] =	vst v63  }
0x19: {  	s21 =	simm.s32 @!p0 $0x200;
	s16 =	sadd.s32 $0x0, s16;
	_ =	swait.ge [sflag:s11], $0x800  }
0x1a: {  	s30 =	sshrl.u32 s16, $0x3;
	s16 =	sadd.s32 $0x10, s16;
	[sflag:s11] =	ssyncset.done $0x0  }
0x1b: {  	s18 =	smul.u32 @!p0 $0x4F, s14;
	s19 =	sadd.s32 s4, s30;
	[sflag:s11] =	ssyncadd.s32 $0xFFFFF800  }
0x1c: {  	[hbm4b:s19+s12] =	stream.strided.scatter [tilespmem:s9], [sflag:$0x3], $0x800, s13, s12, $0x38;
	[tilespmem:$0x1200] =	vst v63  }
0x1d: {  	s18 =	sshrl.u32 @!p0 s18, $0x4;
	s19 =	ssub.s32 $0x30D400, s20;
	_ =	swait.ge [sflag:s7], $0x800  }
0x1e: {  	s18 =	sand.u32 @!p0 $0xF80, s18;
	s19 =	sshrl.u32 @!p0 s19, $0x3;
	[sflag:s7] =	ssyncset.done $0x0  }
0x1f: {  	s20 =	simm.s32 @!p0 $0x80;
	s19 =	sadd.s32 @!p0 s3, s19;
	[sflag:s7] =	ssyncadd.s32 $0xFFFFF800  }
0x20: {  	[tilespmem:s21], [sflag:$0x1] =	stream.indirect.gather @!p0 [hbm4b:s19+s20], $0x10, s18, s20, $0xb8;
	[tilespmem:$0x1200] =	vst v63  }
0x21: {  	s17 =	simm.s32 $0x20;
	s31 =	sshrl.u32 s16, $0x3;
	_ =	swait.ge [sflag:s14], $0x800  }
0x22: {  	s16 =	simm.s32 $0x61A800;
	s19 =	simm.s32 $0x40;
	[sflag:s14] =	ssyncset.done $0x0  }
0x23: {  	s18 =	sadd.s32 s4, s31;
	s20 =	simm.s32 $0x1;
	[sflag:s14] =	ssyncadd.s32 $0xFFFFF800  }
0x24: {  	[hbm4b:s18+s12] =	stream.strided.scatter [tilespmem:s10], [sflag:$0x3], $0x800, s13, s12, $0x38;
	[tilespmem:$0x1200] =	vst v63  }
0x25: {  	s23 =	smulhi.u32 $0x4EC4EC4F, s20;
	s18 =	simm.s32 $0x4;
	_ =	swait.ge [sflag:s7], $0x800  }
0x26: {  	s21 =	simm.s32 $0x493E00;
	s22 =	smulhi.u32 $0x4EC4EC4F, s18;
	[sflag:s7] =	ssyncset.done $0x0  }
.LBB2_2:
0x27: {  	s24 =	smul.u32 $0x4F, s20;
	[sflag:s7] =	ssyncadd.s32 $0xFFFFF800;
	s23 =	sshrl.u32 s23, $0x2  }
0x28: {  	s25 =	smov.u32 s19;
	s19 =	sadd.s32 $0x20, s19;
	s28 =	smul.u32 $0x27AC400, s23  }
0x29: {  	s26 =	rddreg [dreg:$0x3];
	p1 =	seq.s32 s17, $0x660;
	s23 =	smul.u32 $0xCE60, s23  }
0x2a: {  	s22 =	sshrl.u32 s22, $0x3;
	s24 =	sshrl.u32 s24, $0x3;
	s28 =	ssub.s32 s21, s28  }
0x2b: {  	s24 =	sand.u32 $0x1F80, s24;
	s23 =	sadd.s32 s23, s26;
	s31 =	sshrl.u32 s28, $0x3  }
0x2c: {  	s28 =	simm.s32 @!p1 $0x200;
	s29 =	sadd.s32 s23, s17;
	s26 =	sadd.s32 s3, s31  }
0x2d: {  	[tilespmem:s10], [sflag:$0x2] =	stream.indirect.gather [hbm4b:s26+s8], $0x10, s24, s8, $0xb8;
	[tilespmem:$0x1200] =	vst v63  }
0x2e: {  	s23 =	smul.u32 @!p1 $0x4F, s18;
	s30 =	sshrl.u32 s29, $0x3;
	_ =	swait.ge [sflag:s11], $0x800  }
0x2f: {  	s17 =	sadd.s32 $0x10, s29;
	s29 =	smul.u32 $0x27AC400, s22;
	[sflag:s11] =	ssyncset.done $0x0  }
0x30: {  	s31 =	sshrl.u32 s17, $0x3;
	s30 =	sadd.s32 s4, s30;
	[sflag:s11] =	ssyncadd.s32 $0xFFFFF800  }
0x31: {  	[hbm4b:s30+s12] =	stream.strided.scatter [tilespmem:s9], [sflag:$0x3], $0x800, s13, s12, $0x38;
	[tilespmem:$0x1200] =	vst v63  }
0x32: {  	s22 =	sshrl.u32 @!p1 s23, $0x4;
	s17 =	ssub.s32 s16, s29;
	_ =	swait.ge [sflag:s7], $0x800  }
0x33: {  	s23 =	simm.s32 @!p1 $0x80;
	s17 =	sshrl.u32 @!p1 s17, $0x3;
	[sflag:s7] =	ssyncset.done $0x0  }
0x34: {  	s22 =	sand.u32 @!p1 $0xF80, s22;
	s17 =	sadd.s32 @!p1 s3, s17;
	[sflag:s7] =	ssyncadd.s32 $0xFFFFF800  }
0x35: {  	[tilespmem:s28], [sflag:$0x1] =	stream.indirect.gather @!p1 [hbm4b:s17+s23], $0x10, s22, s23, $0xb8;
	[tilespmem:$0x1200] =	vst v63  }
0x36: {  	s20 =	sadd.s32 $0x1, s20;
	p0 =	sne.s32 s19, $0x680;
	_ =	swait.ge [sflag:s14], $0x800  }
.Ltmp0:
0x37: {  	s21 =	sadd.s32 $0x30D400, s21;
	[sflag:s14] =	ssyncset.done $0x0;
	(pc) =	sbr.rel @p0 .LBB2_2-.Ltmp0, $4  }
0x38: {  	s16 =	sadd.s32 $0x30D400, s16;
	s31 =	sadd.s32 s4, s31;
	[sflag:s14] =	ssyncadd.s32 $0xFFFFF800  }
0x39: {  	[hbm4b:s31+s12] =	stream.strided.scatter [tilespmem:s10], [sflag:$0x3], $0x800, s13, s12, $0x38;
	[tilespmem:$0x1200] =	vst v63  }
0x3a: {  	s18 =	sadd.s32 $0x2, s18;
	s23 =	smulhi.u32 $0x4EC4EC4F, s20;
	_ =	swait.ge [sflag:s7], $0x800  }
0x3b: {  	s17 =	smov.u32 s25;
	s22 =	smulhi.u32 $0x4EC4EC4F, s18;
	[sflag:s7] =	ssyncset.done $0x0  }
0x3c: {  	s19 =	sshrl.u32 s23, $0x2  }
0x3d: {  	s23 =	smul.u32 $0x27AC400, s19  }
0x3e: {  	s20 =	smul.u32 $0x4F, s20;
	[sflag:s7] =	ssyncadd.s32 $0xFFFFF800;
	s24 =	rddreg [dreg:$0x3]  }
0x3f: {  	p0 =	seq.s32 s17, $0x660;
	s19 =	smul.u32 $0xCE60, s19;
	s21 =	ssub.s32 s21, s23  }
0x40: {  	s18 =	smul.u32 @!p0 $0x4F, s18;
	s20 =	sshrl.u32 s20, $0x3;
	s21 =	sshrl.u32 s21, $0x3  }
0x41: {  	s20 =	sand.u32 $0x1F80, s20;
	s19 =	sadd.s32 s19, s24;
	s21 =	sadd.s32 s3, s21  }
0x42: {  	[tilespmem:s10], [sflag:$0x2] =	stream.indirect.gather [hbm4b:s21+s8], $0x10, s20, s8, $0xb8;
	[tilespmem:$0x1200] =	vst v63  }
0x43: {  	s30 =	sshrl.u32 s22, $0x3;
	s29 =	sadd.s32 s19, s17;
	_ =	swait.ge [sflag:s11], $0x800  }
0x44: {  	s23 =	simm.s32 @!p0 $0x200;
	s19 =	sshrl.u32 s29, $0x3;
	[sflag:s11] =	ssyncset.done $0x0  }
0x45: {  	s20 =	smul.u32 $0x27AC400, s30;
	s19 =	sadd.s32 s4, s19;
	[sflag:s11] =	ssyncadd.s32 $0xFFFFF800  }
0x46: {  	[hbm4b:s19+s12] =	stream.strided.scatter [tilespmem:s9], [sflag:$0x3], $0x800, s13, s12, $0x38;
	[tilespmem:$0x1200] =	vst v63  }
0x47: {  	s18 =	sshrl.u32 @!p0 s18, $0x4;
	s16 =	ssub.s32 s16, s20;
	_ =	swait.ge [sflag:s7], $0x800  }
0x48: {  	s18 =	sand.u32 @!p0 $0xF80, s18;
	s16 =	sshrl.u32 @!p0 s16, $0x3;
	[sflag:s7] =	ssyncset.done $0x0  }
0x49: {  	s16 =	sadd.s32 @!p0 s3, s16;
	s19 =	simm.s32 @!p0 $0x80;
	[sflag:s7] =	ssyncadd.s32 $0xFFFFF800  }
0x4a: {  	[tilespmem:s23], [sflag:$0x1] =	stream.indirect.gather @!p0 [hbm4b:s16+s19], $0x10, s18, s19, $0xb8;
	[tilespmem:$0x1200] =	vst v63  }
0x4b: {  	s15 =	sadd.s32 $0x1, s15;
	s31 =	sadd.s32 $0x10, s29;
	_ =	swait.ge [sflag:s14], $0x800  }
0x4c: {  	s16 =	sshrl.u32 s31, $0x3;
	p0 =	sne.s32 s15, s6;
	[sflag:s14] =	ssyncset.done $0x0  }
.Ltmp1:
0x4d: {  	s16 =	sadd.s32 s4, s16;
	[sflag:s14] =	ssyncadd.s32 $0xFFFFF800;
	(pc) =	sbr.rel @p0 .LBB2_1-.Ltmp1, $4  }
0x4e: {  	[hbm4b:s16+s12] =	stream.strided.scatter [tilespmem:s10], [sflag:$0x3], $0x800, s13, s12, $0x38;
	[tilespmem:$0x1200] =	vst v63  }
0x4f: {  	_ =	swait.ge [sflag:s7], $0x800  }
0x50: {  	[sflag:s7] =	ssyncset.done $0x0  }
0x51: {  	[sflag:s7] =	ssyncadd.s32 $0xFFFFF800  }
0x52: {  	_ =	sfence.sel $0x180000  }
0x53: {  	[bflag:$0x0] =	sbarrier.arrive $0xFFFF  }
0x54: {  	p0 =	sne.s32 s1, $0x0;
	_ =	strace $0x90000047  }
0x55: {  	s0 =	sadd.s32 @!p0 $0x100000, s0;
	[bflag:$0x2] =	sbarrier.arrive $0xFFFF  }
0x56: {  	[sflag:s0] =	ssyncadd.tile.s32 @!p0 $0x1;
	_ =	shalt  }
.Lfunc_end2:
_tile_overlayer_lowered:
.L_overlay_start_2:
0x57: {  	(tag) =	ssettag $0x2  }
0x58: {  	s0 =	rddreg [dreg:$0x0];
	s2 =	stileid.u32  }
0x59: {  	s1 =	rddreg [dreg:$0x1];
	p0 =	sne.s32 s2, $0x0  }
0x5a: {  	s3 =	rddreg [dreg:$0x2];
	[bflag:$0x3] =	sbarrier.arrive $0xFFFF;
	s2 =	simm.s32 @!p0 $0x1C03  }
0x5b: {  	[timem:s3], [sflag:s2] =	dma.local @!p0 [hbm:s0], s1  }
0x5c: {  	s0 =	simm.s32 @!p0 $0x3  }
0x5d: {  	_ =	swait.ge @!p0 [sflag:s0], s1  }
0x5e: {  	s1 =	ssub.s32 @!p0 $0x0, s1;
	[sflag:s0] =	ssyncset.done @!p0 $0x0  }
0x5f: {  	[sflag:s0] =	ssyncadd.s32 @!p0 s1  }
0x60: {  	[bflag:$0x3] =	sbarrier.arrive $0xFFFF  }
0x61: {  	_ =	shalt  }

</sc_bundles>
